<compile_context>
chip_gen: v7x
topology: tpu7x:2x2x1
jax: 0.10.2.dev20260603
libtpu: 0.0.44.dev20260713+nightly
codegen_flags: <defaults>
</compile_context>

<pallas_src>
import functools

import jax
import jax.numpy as jnp
from jax import lax
from jax.experimental import pallas as pl
from jax.experimental.pallas import tpu as pltpu
from jax.experimental.pallas import tpu_sc as plsc

_NUM_CORES = 2
_NUM_SUBCORES = 16
_NW = _NUM_CORES * _NUM_SUBCORES
_CH = 120
_NBUF = 8
_PREF = 4


def kernel(input_logits, labels, memory, labels_mem):
    batch, d = input_logits.shape
    k = memory.shape[0]
    tail = k - batch

    assert batch % (8 * _NW) == 0 and tail % 8 == 0
    b_per_w = batch // _NW
    t_per_w = -(-(tail // 8) // _NW) * 8
    n_in = -(-b_per_w // _CH)
    n_t = -(-t_per_w // _CH)

    mesh = plsc.VectorSubcoreMesh(core_axis_name="c", subcore_axis_name="s")

    @functools.partial(
        pl.kernel,
        mesh=mesh,
        out_type=(
            jax.ShapeDtypeStruct((k, d), memory.dtype),
            jax.ShapeDtypeStruct((k,), labels_mem.dtype),
        ),
        scratch_types=(
            [pltpu.VMEM((_CH, d), memory.dtype) for _ in range(_NBUF)]
            + [
                pltpu.VMEM((b_per_w,), labels.dtype),
                pltpu.VMEM((t_per_w,), labels_mem.dtype),
            ]
            + [pltpu.SemaphoreType.DMA for _ in range(2 * _NBUF + 2)]
        ),
    )
    def sk(in_hbm, lab_hbm, mem_hbm, labm_hbm, out_mem, out_lab, *scratch):
        bufs = scratch[:_NBUF]
        lv, tv = scratch[_NBUF], scratch[_NBUF + 1]
        gsems = scratch[_NBUF + 2 : 2 * _NBUF + 2]
        ssems = scratch[2 * _NBUF + 2 : 3 * _NBUF + 2]
        lsem_a, lsem_b = scratch[3 * _NBUF + 2], scratch[3 * _NBUF + 3]
        wid = lax.axis_index("s") * _NUM_CORES + lax.axis_index("c")

        ib = wid * b_per_w
        tb = jnp.minimum(batch + wid * t_per_w, k - t_per_w)
        tb = pl.multiple_of(tb, 8)

        chunks = []
        for i in range(n_in):
            s = jnp.minimum(ib + i * _CH, ib + b_per_w - _CH)
            chunks.append((in_hbm, pl.multiple_of(s, 8)))
        for i in range(n_t):
            s = jnp.minimum(tb + i * _CH, tb + t_per_w - _CH)
            chunks.append((mem_hbm, pl.multiple_of(s, 8)))
        n = len(chunks)

        g = [None] * n
        s_ = [None] * n

        def issue_gather(j):
            if j - _NBUF >= 0:
                s_[j - _NBUF].wait()
            src, st = chunks[j]
            b = j % _NBUF
            g[j] = pltpu.async_copy(src.at[pl.ds(st, _CH)], bufs[b], gsems[b])

        for j in range(min(_PREF, n)):
            issue_gather(j)
        for i in range(n):
            b = i % _NBUF
            g[i].wait()
            s_[i] = pltpu.async_copy(
                bufs[b], out_mem.at[pl.ds(chunks[i][1], _CH)], ssems[b]
            )
            if i + _PREF < n:
                issue_gather(i + _PREF)

        c0 = pltpu.async_copy(lab_hbm.at[pl.ds(ib, b_per_w)], lv, lsem_a)
        c1 = pltpu.async_copy(labm_hbm.at[pl.ds(tb, t_per_w)], tv, lsem_b)
        c0.wait()
        c2 = pltpu.async_copy(lv, out_lab.at[pl.ds(ib, b_per_w)], lsem_a)
        c1.wait()
        c3 = pltpu.async_copy(tv, out_lab.at[pl.ds(tb, t_per_w)], lsem_b)
        c2.wait()
        c3.wait()

        for i in range(max(0, n - _NBUF), n):
            s_[i].wait()

    new_memory, new_labels_mem = sk(input_logits, labels, memory, labels_mem)
    return (new_memory, new_labels_mem, jnp.array(batch % k, dtype=jnp.int32))

# --- scband reference (transcript-rebuilt; emitter-appended) ---
"""Pipeline reference for scband-skmemory-41369124995680 (READ-ONLY COPY).

The authoritative reference and input builder live on the scoring server;
editing this copy changes nothing except your own understanding.
"""

import jax, jax.numpy as jnp
import numpy as np

K = 100000
INPUT_SIZE = 128
BATCH = 16384
INDEX = 0  # queue write pointer at start of step


def setup_inputs(seed: int = 0) -> dict:
    key = jax.random.key(seed)
    k1, k2, k3, k4 = jax.random.split(key, 4)
    stdv = 1.0 / np.sqrt(INPUT_SIZE / 3.0)
    input_logits = jax.random.normal(k1, (BATCH, INPUT_SIZE), dtype=jnp.float32)
    labels = jax.random.uniform(k2, (BATCH,), dtype=jnp.float32)
    # registered buffers: memory ~ U(-stdv, stdv), labels queue ~ U(0,1)
    memory = jax.random.uniform(k3, (K, INPUT_SIZE), dtype=jnp.float32) * (2.0 * stdv) - stdv
    labels_mem = jax.random.uniform(k4, (K,), dtype=jnp.float32)
    return {
        "input_logits": input_logits,
        "labels": labels,
        "memory": memory,
        "labels_mem": labels_mem,
    }


def reference(input_logits, labels, memory, labels_mem):
    # SKMemory.forward(input_logits, labels, is_update=True)
    batchSize = input_logits.shape[0]
    out_ids = (jnp.arange(batchSize, dtype=jnp.int32) + INDEX) % K
    # index_copy_ -> scatter-overwrite into circular queue
    new_memory = memory.at[out_ids].set(input_logits)
    new_labels_mem = labels_mem.at[out_ids].set(labels)
    new_index = (INDEX + batchSize) % K
    # original returns (self.memory, idx); labels buffer updated as side effect
    return (new_memory, new_labels_mem, jnp.array(new_index, dtype=jnp.int32))

if __name__ == "__main__":
    import jax
    _d = setup_inputs()
    print(jax.jit(kernel)(*tuple(_d.values())))

</pallas_src>

<mosaic_0001>
#map = affine_map<(d0, d1) -> (0, 0)>
#map1 = affine_map<(d0, d1) -> (0)>
module attributes {stable_mosaic.version = 14 : i64} {
  func.func @sk(%arg0: i32, %arg1: i32, %arg2: memref<16384x128xf32, #tpu.memory_space<hbm>>, %arg3: memref<16384xf32, #tpu.memory_space<hbm>>, %arg4: memref<100000x128xf32, #tpu.memory_space<hbm>>, %arg5: memref<100000xf32, #tpu.memory_space<hbm>>, %arg6: memref<100000x128xf32, #tpu.memory_space<hbm>>, %arg7: memref<100000xf32, #tpu.memory_space<hbm>>, %arg8: memref<120x128xf32, #tpu.memory_space<vmem>>, %arg9: memref<120x128xf32, #tpu.memory_space<vmem>>, %arg10: memref<120x128xf32, #tpu.memory_space<vmem>>, %arg11: memref<120x128xf32, #tpu.memory_space<vmem>>, %arg12: memref<120x128xf32, #tpu.memory_space<vmem>>, %arg13: memref<120x128xf32, #tpu.memory_space<vmem>>, %arg14: memref<120x128xf32, #tpu.memory_space<vmem>>, %arg15: memref<120x128xf32, #tpu.memory_space<vmem>>, %arg16: memref<512xf32, #tpu.memory_space<vmem>>, %arg17: memref<2616xf32, #tpu.memory_space<vmem>>, %arg18: memref<!tpu.dma_semaphore, #tpu.memory_space<semaphore_mem>>, %arg19: memref<!tpu.dma_semaphore, #tpu.memory_space<semaphore_mem>>, %arg20: memref<!tpu.dma_semaphore, #tpu.memory_space<semaphore_mem>>, %arg21: memref<!tpu.dma_semaphore, #tpu.memory_space<semaphore_mem>>, %arg22: memref<!tpu.dma_semaphore, #tpu.memory_space<semaphore_mem>>, %arg23: memref<!tpu.dma_semaphore, #tpu.memory_space<semaphore_mem>>, %arg24: memref<!tpu.dma_semaphore, #tpu.memory_space<semaphore_mem>>, %arg25: memref<!tpu.dma_semaphore, #tpu.memory_space<semaphore_mem>>, %arg26: memref<!tpu.dma_semaphore, #tpu.memory_space<semaphore_mem>>, %arg27: memref<!tpu.dma_semaphore, #tpu.memory_space<semaphore_mem>>, %arg28: memref<!tpu.dma_semaphore, #tpu.memory_space<semaphore_mem>>, %arg29: memref<!tpu.dma_semaphore, #tpu.memory_space<semaphore_mem>>, %arg30: memref<!tpu.dma_semaphore, #tpu.memory_space<semaphore_mem>>, %arg31: memref<!tpu.dma_semaphore, #tpu.memory_space<semaphore_mem>>, %arg32: memref<!tpu.dma_semaphore, #tpu.memory_space<semaphore_mem>>, %arg33: memref<!tpu.dma_semaphore, #tpu.memory_space<semaphore_mem>>, %arg34: memref<!tpu.dma_semaphore, #tpu.memory_space<semaphore_mem>>, %arg35: memref<!tpu.dma_semaphore, #tpu.memory_space<semaphore_mem>>) attributes {dimension_semantics = [#tpu.dimension_semantics<core_parallel>, #tpu.dimension_semantics<subcore_parallel>], iteration_bounds = array<i64: 2, 16>, scalar_prefetch = 0 : i64, scratch_operands = 28 : i64, tpu.core_type = #tpu.core_type<sc_vector_subcore>, window_params = [{transform_indices = #map}, {transform_indices = #map1}, {transform_indices = #map}, {transform_indices = #map1}, {transform_indices = #map}, {transform_indices = #map1}]} {
    %mul3A = arith.constant 2 : i32
    %mul3A_0 = arith.muli %arg1, %mul3A : i32
    %add3A = arith.addi %mul3A_0, %arg0 : i32
    %mul3A_1 = arith.constant 512 : i32
    %mul3A_2 = arith.muli %add3A, %mul3A_1 : i32
    %mul3A_3 = arith.constant 2616 : i32
    %mul3A_4 = arith.muli %add3A, %mul3A_3 : i32
    %add3A_5 = arith.constant 16384 : i32
    %add3A_6 = arith.addi %add3A_5, %mul3A_4 : i32
    %min3A = arith.constant 97384 : i32
    %min3A_7 = arith.minsi %add3A_6, %min3A : i32
    %multiple_of3A = tpu.assume_multiple %min3A_7, 8 : i32
    %add3A_8 = arith.constant 0 : i32
    %add3A_9 = arith.addi %mul3A_2, %add3A_8 : i32
    %add3A_10 = arith.constant 512 : i32
    %add3A_11 = arith.addi %mul3A_2, %add3A_10 : i32
    %sub3A = arith.constant 120 : i32
    %sub3A_12 = arith.subi %add3A_11, %sub3A : i32
    %min3A_13 = arith.minsi %add3A_9, %sub3A_12 : i32
    %multiple_of3A_14 = tpu.assume_multiple %min3A_13, 8 : i32
    %add3A_15 = arith.constant 120 : i32
    %add3A_16 = arith.addi %mul3A_2, %add3A_15 : i32
    %add3A_17 = arith.constant 512 : i32
    %add3A_18 = arith.addi %mul3A_2, %add3A_17 : i32
    %sub3A_19 = arith.constant 120 : i32
    %sub3A_20 = arith.subi %add3A_18, %sub3A_19 : i32
    %min3A_21 = arith.minsi %add3A_16, %sub3A_20 : i32
    %multiple_of3A_22 = tpu.assume_multiple %min3A_21, 8 : i32
    %add3A_23 = arith.constant 240 : i32
    %add3A_24 = arith.addi %mul3A_2, %add3A_23 : i32
    %add3A_25 = arith.constant 512 : i32
    %add3A_26 = arith.addi %mul3A_2, %add3A_25 : i32
    %sub3A_27 = arith.constant 120 : i32
    %sub3A_28 = arith.subi %add3A_26, %sub3A_27 : i32
    %min3A_29 = arith.minsi %add3A_24, %sub3A_28 : i32
    %multiple_of3A_30 = tpu.assume_multiple %min3A_29, 8 : i32
    %add3A_31 = arith.constant 360 : i32
    %add3A_32 = arith.addi %mul3A_2, %add3A_31 : i32
    %add3A_33 = arith.constant 512 : i32
    %add3A_34 = arith.addi %mul3A_2, %add3A_33 : i32
    %sub3A_35 = arith.constant 120 : i32
    %sub3A_36 = arith.subi %add3A_34, %sub3A_35 : i32
    %min3A_37 = arith.minsi %add3A_32, %sub3A_36 : i32
    %multiple_of3A_38 = tpu.assume_multiple %min3A_37, 8 : i32
    %add3A_39 = arith.constant 480 : i32
    %add3A_40 = arith.addi %mul3A_2, %add3A_39 : i32
    %add3A_41 = arith.constant 512 : i32
    %add3A_42 = arith.addi %mul3A_2, %add3A_41 : i32
    %sub3A_43 = arith.constant 120 : i32
    %sub3A_44 = arith.subi %add3A_42, %sub3A_43 : i32
    %min3A_45 = arith.minsi %add3A_40, %sub3A_44 : i32
    %multiple_of3A_46 = tpu.assume_multiple %min3A_45, 8 : i32
    %add3A_47 = arith.constant 0 : i32
    %add3A_48 = arith.addi %multiple_of3A, %add3A_47 : i32
    %add3A_49 = arith.constant 2616 : i32
    %add3A_50 = arith.addi %multiple_of3A, %add3A_49 : i32
    %sub3A_51 = arith.constant 120 : i32
    %sub3A_52 = arith.subi %add3A_50, %sub3A_51 : i32
    %min3A_53 = arith.minsi %add3A_48, %sub3A_52 : i32
    %multiple_of3A_54 = tpu.assume_multiple %min3A_53, 8 : i32
    %add3A_55 = arith.constant 120 : i32
    %add3A_56 = arith.addi %multiple_of3A, %add3A_55 : i32
    %add3A_57 = arith.constant 2616 : i32
    %add3A_58 = arith.addi %multiple_of3A, %add3A_57 : i32
    %sub3A_59 = arith.constant 120 : i32
    %sub3A_60 = arith.subi %add3A_58, %sub3A_59 : i32
    %min3A_61 = arith.minsi %add3A_56, %sub3A_60 : i32
    %multiple_of3A_62 = tpu.assume_multiple %min3A_61, 8 : i32
    %add3A_63 = arith.constant 240 : i32
    %add3A_64 = arith.addi %multiple_of3A, %add3A_63 : i32
    %add3A_65 = arith.constant 2616 : i32
    %add3A_66 = arith.addi %multiple_of3A, %add3A_65 : i32
    %sub3A_67 = arith.constant 120 : i32
    %sub3A_68 = arith.subi %add3A_66, %sub3A_67 : i32
    %min3A_69 = arith.minsi %add3A_64, %sub3A_68 : i32
    %multiple_of3A_70 = tpu.assume_multiple %min3A_69, 8 : i32
    %add3A_71 = arith.constant 360 : i32
    %add3A_72 = arith.addi %multiple_of3A, %add3A_71 : i32
    %add3A_73 = arith.constant 2616 : i32
    %add3A_74 = arith.addi %multiple_of3A, %add3A_73 : i32
    %sub3A_75 = arith.constant 120 : i32
    %sub3A_76 = arith.subi %add3A_74, %sub3A_75 : i32
    %min3A_77 = arith.minsi %add3A_72, %sub3A_76 : i32
    %multiple_of3A_78 = tpu.assume_multiple %min3A_77, 8 : i32
    %add3A_79 = arith.constant 480 : i32
    %add3A_80 = arith.addi %multiple_of3A, %add3A_79 : i32
    %add3A_81 = arith.constant 2616 : i32
    %add3A_82 = arith.addi %multiple_of3A, %add3A_81 : i32
    %sub3A_83 = arith.constant 120 : i32
    %sub3A_84 = arith.subi %add3A_82, %sub3A_83 : i32
    %min3A_85 = arith.minsi %add3A_80, %sub3A_84 : i32
    %multiple_of3A_86 = tpu.assume_multiple %min3A_85, 8 : i32
    %add3A_87 = arith.constant 600 : i32
    %add3A_88 = arith.addi %multiple_of3A, %add3A_87 : i32
    %add3A_89 = arith.constant 2616 : i32
    %add3A_90 = arith.addi %multiple_of3A, %add3A_89 : i32
    %sub3A_91 = arith.constant 120 : i32
    %sub3A_92 = arith.subi %add3A_90, %sub3A_91 : i32
    %min3A_93 = arith.minsi %add3A_88, %sub3A_92 : i32
    %multiple_of3A_94 = tpu.assume_multiple %min3A_93, 8 : i32
    %add3A_95 = arith.constant 720 : i32
    %add3A_96 = arith.addi %multiple_of3A, %add3A_95 : i32
    %add3A_97 = arith.constant 2616 : i32
    %add3A_98 = arith.addi %multiple_of3A, %add3A_97 : i32
    %sub3A_99 = arith.constant 120 : i32
    %sub3A_100 = arith.subi %add3A_98, %sub3A_99 : i32
    %min3A_101 = arith.minsi %add3A_96, %sub3A_100 : i32
    %multiple_of3A_102 = tpu.assume_multiple %min3A_101, 8 : i32
    %add3A_103 = arith.constant 840 : i32
    %add3A_104 = arith.addi %multiple_of3A, %add3A_103 : i32
    %add3A_105 = arith.constant 2616 : i32
    %add3A_106 = arith.addi %multiple_of3A, %add3A_105 : i32
    %sub3A_107 = arith.constant 120 : i32
    %sub3A_108 = arith.subi %add3A_106, %sub3A_107 : i32
    %min3A_109 = arith.minsi %add3A_104, %sub3A_108 : i32
    %multiple_of3A_110 = tpu.assume_multiple %min3A_109, 8 : i32
    %add3A_111 = arith.constant 960 : i32
    %add3A_112 = arith.addi %multiple_of3A, %add3A_111 : i32
    %add3A_113 = arith.constant 2616 : i32
    %add3A_114 = arith.addi %multiple_of3A, %add3A_113 : i32
    %sub3A_115 = arith.constant 120 : i32
    %sub3A_116 = arith.subi %add3A_114, %sub3A_115 : i32
    %min3A_117 = arith.minsi %add3A_112, %sub3A_116 : i32
    %multiple_of3A_118 = tpu.assume_multiple %min3A_117, 8 : i32
    %add3A_119 = arith.constant 1080 : i32
    %add3A_120 = arith.addi %multiple_of3A, %add3A_119 : i32
    %add3A_121 = arith.constant 2616 : i32
    %add3A_122 = arith.addi %multiple_of3A, %add3A_121 : i32
    %sub3A_123 = arith.constant 120 : i32
    %sub3A_124 = arith.subi %add3A_122, %sub3A_123 : i32
    %min3A_125 = arith.minsi %add3A_120, %sub3A_124 : i32
    %multiple_of3A_126 = tpu.assume_multiple %min3A_125, 8 : i32
    %add3A_127 = arith.constant 1200 : i32
    %add3A_128 = arith.addi %multiple_of3A, %add3A_127 : i32
    %add3A_129 = arith.constant 2616 : i32
    %add3A_130 = arith.addi %multiple_of3A, %add3A_129 : i32
    %sub3A_131 = arith.constant 120 : i32
    %sub3A_132 = arith.subi %add3A_130, %sub3A_131 : i32
    %min3A_133 = arith.minsi %add3A_128, %sub3A_132 : i32
    %multiple_of3A_134 = tpu.assume_multiple %min3A_133, 8 : i32
    %add3A_135 = arith.constant 1320 : i32
    %add3A_136 = arith.addi %multiple_of3A, %add3A_135 : i32
    %add3A_137 = arith.constant 2616 : i32
    %add3A_138 = arith.addi %multiple_of3A, %add3A_137 : i32
    %sub3A_139 = arith.constant 120 : i32
    %sub3A_140 = arith.subi %add3A_138, %sub3A_139 : i32
    %min3A_141 = arith.minsi %add3A_136, %sub3A_140 : i32
    %multiple_of3A_142 = tpu.assume_multiple %min3A_141, 8 : i32
    %add3A_143 = arith.constant 1440 : i32
    %add3A_144 = arith.addi %multiple_of3A, %add3A_143 : i32
    %add3A_145 = arith.constant 2616 : i32
    %add3A_146 = arith.addi %multiple_of3A, %add3A_145 : i32
    %sub3A_147 = arith.constant 120 : i32
    %sub3A_148 = arith.subi %add3A_146, %sub3A_147 : i32
    %min3A_149 = arith.minsi %add3A_144, %sub3A_148 : i32
    %multiple_of3A_150 = tpu.assume_multiple %min3A_149, 8 : i32
    %add3A_151 = arith.constant 1560 : i32
    %add3A_152 = arith.addi %multiple_of3A, %add3A_151 : i32
    %add3A_153 = arith.constant 2616 : i32
    %add3A_154 = arith.addi %multiple_of3A, %add3A_153 : i32
    %sub3A_155 = arith.constant 120 : i32
    %sub3A_156 = arith.subi %add3A_154, %sub3A_155 : i32
    %min3A_157 = arith.minsi %add3A_152, %sub3A_156 : i32
    %multiple_of3A_158 = tpu.assume_multiple %min3A_157, 8 : i32
    %add3A_159 = arith.constant 1680 : i32
    %add3A_160 = arith.addi %multiple_of3A, %add3A_159 : i32
    %add3A_161 = arith.constant 2616 : i32
    %add3A_162 = arith.addi %multiple_of3A, %add3A_161 : i32
    %sub3A_163 = arith.constant 120 : i32
    %sub3A_164 = arith.subi %add3A_162, %sub3A_163 : i32
    %min3A_165 = arith.minsi %add3A_160, %sub3A_164 : i32
    %multiple_of3A_166 = tpu.assume_multiple %min3A_165, 8 : i32
    %add3A_167 = arith.constant 1800 : i32
    %add3A_168 = arith.addi %multiple_of3A, %add3A_167 : i32
    %add3A_169 = arith.constant 2616 : i32
    %add3A_170 = arith.addi %multiple_of3A, %add3A_169 : i32
    %sub3A_171 = arith.constant 120 : i32
    %sub3A_172 = arith.subi %add3A_170, %sub3A_171 : i32
    %min3A_173 = arith.minsi %add3A_168, %sub3A_172 : i32
    %multiple_of3A_174 = tpu.assume_multiple %min3A_173, 8 : i32
    %add3A_175 = arith.constant 1920 : i32
    %add3A_176 = arith.addi %multiple_of3A, %add3A_175 : i32
    %add3A_177 = arith.constant 2616 : i32
    %add3A_178 = arith.addi %multiple_of3A, %add3A_177 : i32
    %sub3A_179 = arith.constant 120 : i32
    %sub3A_180 = arith.subi %add3A_178, %sub3A_179 : i32
    %min3A_181 = arith.minsi %add3A_176, %sub3A_180 : i32
    %multiple_of3A_182 = tpu.assume_multiple %min3A_181, 8 : i32
    %add3A_183 = arith.constant 2040 : i32
    %add3A_184 = arith.addi %multiple_of3A, %add3A_183 : i32
    %add3A_185 = arith.constant 2616 : i32
    %add3A_186 = arith.addi %multiple_of3A, %add3A_185 : i32
    %sub3A_187 = arith.constant 120 : i32
    %sub3A_188 = arith.subi %add3A_186, %sub3A_187 : i32
    %min3A_189 = arith.minsi %add3A_184, %sub3A_188 : i32
    %multiple_of3A_190 = tpu.assume_multiple %min3A_189, 8 : i32
    %add3A_191 = arith.constant 2160 : i32
    %add3A_192 = arith.addi %multiple_of3A, %add3A_191 : i32
    %add3A_193 = arith.constant 2616 : i32
    %add3A_194 = arith.addi %multiple_of3A, %add3A_193 : i32
    %sub3A_195 = arith.constant 120 : i32
    %sub3A_196 = arith.subi %add3A_194, %sub3A_195 : i32
    %min3A_197 = arith.minsi %add3A_192, %sub3A_196 : i32
    %multiple_of3A_198 = tpu.assume_multiple %min3A_197, 8 : i32
    %add3A_199 = arith.constant 2280 : i32
    %add3A_200 = arith.addi %multiple_of3A, %add3A_199 : i32
    %add3A_201 = arith.constant 2616 : i32
    %add3A_202 = arith.addi %multiple_of3A, %add3A_201 : i32
    %sub3A_203 = arith.constant 120 : i32
    %sub3A_204 = arith.subi %add3A_202, %sub3A_203 : i32
    %min3A_205 = arith.minsi %add3A_200, %sub3A_204 : i32
    %multiple_of3A_206 = tpu.assume_multiple %min3A_205, 8 : i32
    %add3A_207 = arith.constant 2400 : i32
    %add3A_208 = arith.addi %multiple_of3A, %add3A_207 : i32
    %add3A_209 = arith.constant 2616 : i32
    %add3A_210 = arith.addi %multiple_of3A, %add3A_209 : i32
    %sub3A_211 = arith.constant 120 : i32
    %sub3A_212 = arith.subi %add3A_210, %sub3A_211 : i32
    %min3A_213 = arith.minsi %add3A_208, %sub3A_212 : i32
    %multiple_of3A_214 = tpu.assume_multiple %min3A_213, 8 : i32
    %add3A_215 = arith.constant 2520 : i32
    %add3A_216 = arith.addi %multiple_of3A, %add3A_215 : i32
    %add3A_217 = arith.constant 2616 : i32
    %add3A_218 = arith.addi %multiple_of3A, %add3A_217 : i32
    %sub3A_219 = arith.constant 120 : i32
    %sub3A_220 = arith.subi %add3A_218, %sub3A_219 : i32
    %min3A_221 = arith.minsi %add3A_216, %sub3A_220 : i32
    %multiple_of3A_222 = tpu.assume_multiple %min3A_221, 8 : i32
    %dma_start3A = arith.constant 0 : i32
    %dma_start3A_223 = tpu.memref_slice %arg2[%multiple_of3A_14, %dma_start3A] : memref<16384x128xf32, #tpu.memory_space<hbm>> -> memref<120x128xf32, #tpu.memory_space<hbm>>
    %dma_start3A_224 = arith.constant 0 : i32
    %dma_start3A_225 = tpu.memref_slice %arg2[%multiple_of3A_14, %dma_start3A_224] : memref<16384x128xf32, #tpu.memory_space<hbm>> -> memref<120x128xf32, #tpu.memory_space<hbm>>
    tpu.enqueue_dma source(%dma_start3A_225 : memref<120x128xf32, #tpu.memory_space<hbm>>) target(%arg8 : memref<120x128xf32, #tpu.memory_space<vmem>>) target_semaphore(%arg18 : memref<!tpu.dma_semaphore, #tpu.memory_space<semaphore_mem>>)
    %dma_start3A_226 = arith.constant 0 : i32
    %dma_start3A_227 = tpu.memref_slice %arg2[%multiple_of3A_22, %dma_start3A_226] : memref<16384x128xf32, #tpu.memory_space<hbm>> -> memref<120x128xf32, #tpu.memory_space<hbm>>
    %dma_start3A_228 = arith.constant 0 : i32
    %dma_start3A_229 = tpu.memref_slice %arg2[%multiple_of3A_22, %dma_start3A_228] : memref<16384x128xf32, #tpu.memory_space<hbm>> -> memref<120x128xf32, #tpu.memory_space<hbm>>
    tpu.enqueue_dma source(%dma_start3A_229 : memref<120x128xf32, #tpu.memory_space<hbm>>) target(%arg9 : memref<120x128xf32, #tpu.memory_space<vmem>>) target_semaphore(%arg19 : memref<!tpu.dma_semaphore, #tpu.memory_space<semaphore_mem>>)
    %dma_start3A_230 = arith.constant 0 : i32
    %dma_start3A_231 = tpu.memref_slice %arg2[%multiple_of3A_30, %dma_start3A_230] : memref<16384x128xf32, #tpu.memory_space<hbm>> -> memref<120x128xf32, #tpu.memory_space<hbm>>
    %dma_start3A_232 = arith.constant 0 : i32
    %dma_start3A_233 = tpu.memref_slice %arg2[%multiple_of3A_30, %dma_start3A_232] : memref<16384x128xf32, #tpu.memory_space<hbm>> -> memref<120x128xf32, #tpu.memory_space<hbm>>
    tpu.enqueue_dma source(%dma_start3A_233 : memref<120x128xf32, #tpu.memory_space<hbm>>) target(%arg10 : memref<120x128xf32, #tpu.memory_space<vmem>>) target_semaphore(%arg20 : memref<!tpu.dma_semaphore, #tpu.memory_space<semaphore_mem>>)
    %dma_start3A_234 = arith.constant 0 : i32
    %dma_start3A_235 = tpu.memref_slice %arg2[%multiple_of3A_38, %dma_start3A_234] : memref<16384x128xf32, #tpu.memory_space<hbm>> -> memref<120x128xf32, #tpu.memory_space<hbm>>
    %dma_start3A_236 = arith.constant 0 : i32
    %dma_start3A_237 = tpu.memref_slice %arg2[%multiple_of3A_38, %dma_start3A_236] : memref<16384x128xf32, #tpu.memory_space<hbm>> -> memref<120x128xf32, #tpu.memory_space<hbm>>
    tpu.enqueue_dma source(%dma_start3A_237 : memref<120x128xf32, #tpu.memory_space<hbm>>) target(%arg11 : memref<120x128xf32, #tpu.memory_space<vmem>>) target_semaphore(%arg21 : memref<!tpu.dma_semaphore, #tpu.memory_space<semaphore_mem>>)
    %dma_wait3A = arith.constant 0 : i32
    %dma_wait3A_238 = tpu.memref_slice %arg2[%multiple_of3A_14, %dma_wait3A] : memref<16384x128xf32, #tpu.memory_space<hbm>> -> memref<120x128xf32, #tpu.memory_space<hbm>>
    %dma_wait3A_239 = arith.constant 0 : i32
    %dma_wait3A_240 = tpu.memref_slice %arg2[%multiple_of3A_14, %dma_wait3A_239] : memref<16384x128xf32, #tpu.memory_space<hbm>> -> memref<120x128xf32, #tpu.memory_space<hbm>>
    tpu.wait_dma2 semaphore(%arg18 : memref<!tpu.dma_semaphore, #tpu.memory_space<semaphore_mem>>) src(%dma_wait3A_240 : memref<120x128xf32, #tpu.memory_space<hbm>>) dst(%arg8 : memref<120x128xf32, #tpu.memory_space<vmem>>)
    %dma_start3A_241 = arith.constant 0 : i32
    %dma_start3A_242 = tpu.memref_slice %arg6[%multiple_of3A_14, %dma_start3A_241] : memref<100000x128xf32, #tpu.memory_space<hbm>> -> memref<120x128xf32, #tpu.memory_space<hbm>>
    %dma_start3A_243 = arith.constant 0 : i32
    %dma_start3A_244 = tpu.memref_slice %arg6[%multiple_of3A_14, %dma_start3A_243] : memref<100000x128xf32, #tpu.memory_space<hbm>> -> memref<120x128xf32, #tpu.memory_space<hbm>>
    tpu.enqueue_dma source(%arg8 : memref<120x128xf32, #tpu.memory_space<vmem>>) target(%dma_start3A_244 : memref<120x128xf32, #tpu.memory_space<hbm>>) target_semaphore(%arg26 : memref<!tpu.dma_semaphore, #tpu.memory_space<semaphore_mem>>)
    %dma_start3A_245 = arith.constant 0 : i32
    %dma_start3A_246 = tpu.memref_slice %arg2[%multiple_of3A_46, %dma_start3A_245] : memref<16384x128xf32, #tpu.memory_space<hbm>> -> memref<120x128xf32, #tpu.memory_space<hbm>>
    %dma_start3A_247 = arith.constant 0 : i32
    %dma_start3A_248 = tpu.memref_slice %arg2[%multiple_of3A_46, %dma_start3A_247] : memref<16384x128xf32, #tpu.memory_space<hbm>> -> memref<120x128xf32, #tpu.memory_space<hbm>>
    tpu.enqueue_dma source(%dma_start3A_248 : memref<120x128xf32, #tpu.memory_space<hbm>>) target(%arg12 : memref<120x128xf32, #tpu.memory_space<vmem>>) target_semaphore(%arg22 : memref<!tpu.dma_semaphore, #tpu.memory_space<semaphore_mem>>)
    %dma_wait3A_249 = arith.constant 0 : i32
    %dma_wait3A_250 = tpu.memref_slice %arg2[%multiple_of3A_22, %dma_wait3A_249] : memref<16384x128xf32, #tpu.memory_space<hbm>> -> memref<120x128xf32, #tpu.memory_space<hbm>>
    %dma_wait3A_251 = arith.constant 0 : i32
    %dma_wait3A_252 = tpu.memref_slice %arg2[%multiple_of3A_22, %dma_wait3A_251] : memref<16384x128xf32, #tpu.memory_space<hbm>> -> memref<120x128xf32, #tpu.memory_space<hbm>>
    tpu.wait_dma2 semaphore(%arg19 : memref<!tpu.dma_semaphore, #tpu.memory_space<semaphore_mem>>) src(%dma_wait3A_252 : memref<120x128xf32, #tpu.memory_space<hbm>>) dst(%arg9 : memref<120x128xf32, #tpu.memory_space<vmem>>)
    %dma_start3A_253 = arith.constant 0 : i32
    %dma_start3A_254 = tpu.memref_slice %arg6[%multiple_of3A_22, %dma_start3A_253] : memref<100000x128xf32, #tpu.memory_space<hbm>> -> memref<120x128xf32, #tpu.memory_space<hbm>>
    %dma_start3A_255 = arith.constant 0 : i32
    %dma_start3A_256 = tpu.memref_slice %arg6[%multiple_of3A_22, %dma_start3A_255] : memref<100000x128xf32, #tpu.memory_space<hbm>> -> memref<120x128xf32, #tpu.memory_space<hbm>>
    tpu.enqueue_dma source(%arg9 : memref<120x128xf32, #tpu.memory_space<vmem>>) target(%dma_start3A_256 : memref<120x128xf32, #tpu.memory_space<hbm>>) target_semaphore(%arg27 : memref<!tpu.dma_semaphore, #tpu.memory_space<semaphore_mem>>)
    %dma_start3A_257 = arith.constant 0 : i32
    %dma_start3A_258 = tpu.memref_slice %arg4[%multiple_of3A_54, %dma_start3A_257] : memref<100000x128xf32, #tpu.memory_space<hbm>> -> memref<120x128xf32, #tpu.memory_space<hbm>>
    %dma_start3A_259 = arith.constant 0 : i32
    %dma_start3A_260 = tpu.memref_slice %arg4[%multiple_of3A_54, %dma_start3A_259] : memref<100000x128xf32, #tpu.memory_space<hbm>> -> memref<120x128xf32, #tpu.memory_space<hbm>>
    tpu.enqueue_dma source(%dma_start3A_260 : memref<120x128xf32, #tpu.memory_space<hbm>>) target(%arg13 : memref<120x128xf32, #tpu.memory_space<vmem>>) target_semaphore(%arg23 : memref<!tpu.dma_semaphore, #tpu.memory_space<semaphore_mem>>)
    %dma_wait3A_261 = arith.constant 0 : i32
    %dma_wait3A_262 = tpu.memref_slice %arg2[%multiple_of3A_30, %dma_wait3A_261] : memref<16384x128xf32, #tpu.memory_space<hbm>> -> memref<120x128xf32, #tpu.memory_space<hbm>>
    %dma_wait3A_263 = arith.constant 0 : i32
    %dma_wait3A_264 = tpu.memref_slice %arg2[%multiple_of3A_30, %dma_wait3A_263] : memref<16384x128xf32, #tpu.memory_space<hbm>> -> memref<120x128xf32, #tpu.memory_space<hbm>>
    tpu.wait_dma2 semaphore(%arg20 : memref<!tpu.dma_semaphore, #tpu.memory_space<semaphore_mem>>) src(%dma_wait3A_264 : memref<120x128xf32, #tpu.memory_space<hbm>>) dst(%arg10 : memref<120x128xf32, #tpu.memory_space<vmem>>)
    %dma_start3A_265 = arith.constant 0 : i32
    %dma_start3A_266 = tpu.memref_slice %arg6[%multiple_of3A_30, %dma_start3A_265] : memref<100000x128xf32, #tpu.memory_space<hbm>> -> memref<120x128xf32, #tpu.memory_space<hbm>>
    %dma_start3A_267 = arith.constant 0 : i32
    %dma_start3A_268 = tpu.memref_slice %arg6[%multiple_of3A_30, %dma_start3A_267] : memref<100000x128xf32, #tpu.memory_space<hbm>> -> memref<120x128xf32, #tpu.memory_space<hbm>>
    tpu.enqueue_dma source(%arg10 : memref<120x128xf32, #tpu.memory_space<vmem>>) target(%dma_start3A_268 : memref<120x128xf32, #tpu.memory_space<hbm>>) target_semaphore(%arg28 : memref<!tpu.dma_semaphore, #tpu.memory_space<semaphore_mem>>)
    %dma_start3A_269 = arith.constant 0 : i32
    %dma_start3A_270 = tpu.memref_slice %arg4[%multiple_of3A_62, %dma_start3A_269] : memref<100000x128xf32, #tpu.memory_space<hbm>> -> memref<120x128xf32, #tpu.memory_space<hbm>>
    %dma_start3A_271 = arith.constant 0 : i32
    %dma_start3A_272 = tpu.memref_slice %arg4[%multiple_of3A_62, %dma_start3A_271] : memref<100000x128xf32, #tpu.memory_space<hbm>> -> memref<120x128xf32, #tpu.memory_space<hbm>>
    tpu.enqueue_dma source(%dma_start3A_272 : memref<120x128xf32, #tpu.memory_space<hbm>>) target(%arg14 : memref<120x128xf32, #tpu.memory_space<vmem>>) target_semaphore(%arg24 : memref<!tpu.dma_semaphore, #tpu.memory_space<semaphore_mem>>)
    %dma_wait3A_273 = arith.constant 0 : i32
    %dma_wait3A_274 = tpu.memref_slice %arg2[%multiple_of3A_38, %dma_wait3A_273] : memref<16384x128xf32, #tpu.memory_space<hbm>> -> memref<120x128xf32, #tpu.memory_space<hbm>>
    %dma_wait3A_275 = arith.constant 0 : i32
    %dma_wait3A_276 = tpu.memref_slice %arg2[%multiple_of3A_38, %dma_wait3A_275] : memref<16384x128xf32, #tpu.memory_space<hbm>> -> memref<120x128xf32, #tpu.memory_space<hbm>>
    tpu.wait_dma2 semaphore(%arg21 : memref<!tpu.dma_semaphore, #tpu.memory_space<semaphore_mem>>) src(%dma_wait3A_276 : memref<120x128xf32, #tpu.memory_space<hbm>>) dst(%arg11 : memref<120x128xf32, #tpu.memory_space<vmem>>)
    %dma_start3A_277 = arith.constant 0 : i32
    %dma_start3A_278 = tpu.memref_slice %arg6[%multiple_of3A_38, %dma_start3A_277] : memref<100000x128xf32, #tpu.memory_space<hbm>> -> memref<120x128xf32, #tpu.memory_space<hbm>>
    %dma_start3A_279 = arith.constant 0 : i32
    %dma_start3A_280 = tpu.memref_slice %arg6[%multiple_of3A_38, %dma_start3A_279] : memref<100000x128xf32, #tpu.memory_space<hbm>> -> memref<120x128xf32, #tpu.memory_space<hbm>>
    tpu.enqueue_dma source(%arg11 : memref<120x128xf32, #tpu.memory_space<vmem>>) target(%dma_start3A_280 : memref<120x128xf32, #tpu.memory_space<hbm>>) target_semaphore(%arg29 : memref<!tpu.dma_semaphore, #tpu.memory_space<semaphore_mem>>)
    %dma_start3A_281 = arith.constant 0 : i32
    %dma_start3A_282 = tpu.memref_slice %arg4[%multiple_of3A_70, %dma_start3A_281] : memref<100000x128xf32, #tpu.memory_space<hbm>> -> memref<120x128xf32, #tpu.memory_space<hbm>>
    %dma_start3A_283 = arith.constant 0 : i32
    %dma_start3A_284 = tpu.memref_slice %arg4[%multiple_of3A_70, %dma_start3A_283] : memref<100000x128xf32, #tpu.memory_space<hbm>> -> memref<120x128xf32, #tpu.memory_space<hbm>>
    tpu.enqueue_dma source(%dma_start3A_284 : memref<120x128xf32, #tpu.memory_space<hbm>>) target(%arg15 : memref<120x128xf32, #tpu.memory_space<vmem>>) target_semaphore(%arg25 : memref<!tpu.dma_semaphore, #tpu.memory_space<semaphore_mem>>)
    %dma_wait3A_285 = arith.constant 0 : i32
    %dma_wait3A_286 = tpu.memref_slice %arg2[%multiple_of3A_46, %dma_wait3A_285] : memref<16384x128xf32, #tpu.memory_space<hbm>> -> memref<120x128xf32, #tpu.memory_space<hbm>>
    %dma_wait3A_287 = arith.constant 0 : i32
    %dma_wait3A_288 = tpu.memref_slice %arg2[%multiple_of3A_46, %dma_wait3A_287] : memref<16384x128xf32, #tpu.memory_space<hbm>> -> memref<120x128xf32, #tpu.memory_space<hbm>>
    tpu.wait_dma2 semaphore(%arg22 : memref<!tpu.dma_semaphore, #tpu.memory_space<semaphore_mem>>) src(%dma_wait3A_288 : memref<120x128xf32, #tpu.memory_space<hbm>>) dst(%arg12 : memref<120x128xf32, #tpu.memory_space<vmem>>)
    %dma_start3A_289 = arith.constant 0 : i32
    %dma_start3A_290 = tpu.memref_slice %arg6[%multiple_of3A_46, %dma_start3A_289] : memref<100000x128xf32, #tpu.memory_space<hbm>> -> memref<120x128xf32, #tpu.memory_space<hbm>>
    %dma_start3A_291 = arith.constant 0 : i32
    %dma_start3A_292 = tpu.memref_slice %arg6[%multiple_of3A_46, %dma_start3A_291] : memref<100000x128xf32, #tpu.memory_space<hbm>> -> memref<120x128xf32, #tpu.memory_space<hbm>>
    tpu.enqueue_dma source(%arg12 : memref<120x128xf32, #tpu.memory_space<vmem>>) target(%dma_start3A_292 : memref<120x128xf32, #tpu.memory_space<hbm>>) target_semaphore(%arg30 : memref<!tpu.dma_semaphore, #tpu.memory_space<semaphore_mem>>)
    %dma_wait3A_293 = arith.constant 0 : i32
    %dma_wait3A_294 = tpu.memref_slice %arg6[%multiple_of3A_14, %dma_wait3A_293] : memref<100000x128xf32, #tpu.memory_space<hbm>> -> memref<120x128xf32, #tpu.memory_space<hbm>>
    %dma_wait3A_295 = arith.constant 0 : i32
    %dma_wait3A_296 = tpu.memref_slice %arg6[%multiple_of3A_14, %dma_wait3A_295] : memref<100000x128xf32, #tpu.memory_space<hbm>> -> memref<120x128xf32, #tpu.memory_space<hbm>>
    tpu.wait_dma2 semaphore(%arg26 : memref<!tpu.dma_semaphore, #tpu.memory_space<semaphore_mem>>) src(%arg8 : memref<120x128xf32, #tpu.memory_space<vmem>>) dst(%dma_wait3A_296 : memref<120x128xf32, #tpu.memory_space<hbm>>)
    %dma_start3A_297 = arith.constant 0 : i32
    %dma_start3A_298 = tpu.memref_slice %arg4[%multiple_of3A_78, %dma_start3A_297] : memref<100000x128xf32, #tpu.memory_space<hbm>> -> memref<120x128xf32, #tpu.memory_space<hbm>>
    %dma_start3A_299 = arith.constant 0 : i32
    %dma_start3A_300 = tpu.memref_slice %arg4[%multiple_of3A_78, %dma_start3A_299] : memref<100000x128xf32, #tpu.memory_space<hbm>> -> memref<120x128xf32, #tpu.memory_space<hbm>>
    tpu.enqueue_dma source(%dma_start3A_300 : memref<120x128xf32, #tpu.memory_space<hbm>>) target(%arg8 : memref<120x128xf32, #tpu.memory_space<vmem>>) target_semaphore(%arg18 : memref<!tpu.dma_semaphore, #tpu.memory_space<semaphore_mem>>)
    %dma_wait3A_301 = arith.constant 0 : i32
    %dma_wait3A_302 = tpu.memref_slice %arg4[%multiple_of3A_54, %dma_wait3A_301] : memref<100000x128xf32, #tpu.memory_space<hbm>> -> memref<120x128xf32, #tpu.memory_space<hbm>>
    %dma_wait3A_303 = arith.constant 0 : i32
    %dma_wait3A_304 = tpu.memref_slice %arg4[%multiple_of3A_54, %dma_wait3A_303] : memref<100000x128xf32, #tpu.memory_space<hbm>> -> memref<120x128xf32, #tpu.memory_space<hbm>>
    tpu.wait_dma2 semaphore(%arg23 : memref<!tpu.dma_semaphore, #tpu.memory_space<semaphore_mem>>) src(%dma_wait3A_304 : memref<120x128xf32, #tpu.memory_space<hbm>>) dst(%arg13 : memref<120x128xf32, #tpu.memory_space<vmem>>)
    %dma_start3A_305 = arith.constant 0 : i32
    %dma_start3A_306 = tpu.memref_slice %arg6[%multiple_of3A_54, %dma_start3A_305] : memref<100000x128xf32, #tpu.memory_space<hbm>> -> memref<120x128xf32, #tpu.memory_space<hbm>>
    %dma_start3A_307 = arith.constant 0 : i32
    %dma_start3A_308 = tpu.memref_slice %arg6[%multiple_of3A_54, %dma_start3A_307] : memref<100000x128xf32, #tpu.memory_space<hbm>> -> memref<120x128xf32, #tpu.memory_space<hbm>>
    tpu.enqueue_dma source(%arg13 : memref<120x128xf32, #tpu.memory_space<vmem>>) target(%dma_start3A_308 : memref<120x128xf32, #tpu.memory_space<hbm>>) target_semaphore(%arg31 : memref<!tpu.dma_semaphore, #tpu.memory_space<semaphore_mem>>)
    %dma_wait3A_309 = arith.constant 0 : i32
    %dma_wait3A_310 = tpu.memref_slice %arg6[%multiple_of3A_22, %dma_wait3A_309] : memref<100000x128xf32, #tpu.memory_space<hbm>> -> memref<120x128xf32, #tpu.memory_space<hbm>>
    %dma_wait3A_311 = arith.constant 0 : i32
    %dma_wait3A_312 = tpu.memref_slice %arg6[%multiple_of3A_22, %dma_wait3A_311] : memref<100000x128xf32, #tpu.memory_space<hbm>> -> memref<120x128xf32, #tpu.memory_space<hbm>>
    tpu.wait_dma2 semaphore(%arg27 : memref<!tpu.dma_semaphore, #tpu.memory_space<semaphore_mem>>) src(%arg9 : memref<120x128xf32, #tpu.memory_space<vmem>>) dst(%dma_wait3A_312 : memref<120x128xf32, #tpu.memory_space<hbm>>)
    %dma_start3A_313 = arith.constant 0 : i32
    %dma_start3A_314 = tpu.memref_slice %arg4[%multiple_of3A_86, %dma_start3A_313] : memref<100000x128xf32, #tpu.memory_space<hbm>> -> memref<120x128xf32, #tpu.memory_space<hbm>>
    %dma_start3A_315 = arith.constant 0 : i32
    %dma_start3A_316 = tpu.memref_slice %arg4[%multiple_of3A_86, %dma_start3A_315] : memref<100000x128xf32, #tpu.memory_space<hbm>> -> memref<120x128xf32, #tpu.memory_space<hbm>>
    tpu.enqueue_dma source(%dma_start3A_316 : memref<120x128xf32, #tpu.memory_space<hbm>>) target(%arg9 : memref<120x128xf32, #tpu.memory_space<vmem>>) target_semaphore(%arg19 : memref<!tpu.dma_semaphore, #tpu.memory_space<semaphore_mem>>)
    %dma_wait3A_317 = arith.constant 0 : i32
    %dma_wait3A_318 = tpu.memref_slice %arg4[%multiple_of3A_62, %dma_wait3A_317] : memref<100000x128xf32, #tpu.memory_space<hbm>> -> memref<120x128xf32, #tpu.memory_space<hbm>>
    %dma_wait3A_319 = arith.constant 0 : i32
    %dma_wait3A_320 = tpu.memref_slice %arg4[%multiple_of3A_62, %dma_wait3A_319] : memref<100000x128xf32, #tpu.memory_space<hbm>> -> memref<120x128xf32, #tpu.memory_space<hbm>>
    tpu.wait_dma2 semaphore(%arg24 : memref<!tpu.dma_semaphore, #tpu.memory_space<semaphore_mem>>) src(%dma_wait3A_320 : memref<120x128xf32, #tpu.memory_space<hbm>>) dst(%arg14 : memref<120x128xf32, #tpu.memory_space<vmem>>)
    %dma_start3A_321 = arith.constant 0 : i32
    %dma_start3A_322 = tpu.memref_slice %arg6[%multiple_of3A_62, %dma_start3A_321] : memref<100000x128xf32, #tpu.memory_space<hbm>> -> memref<120x128xf32, #tpu.memory_space<hbm>>
    %dma_start3A_323 = arith.constant 0 : i32
    %dma_start3A_324 = tpu.memref_slice %arg6[%multiple_of3A_62, %dma_start3A_323] : memref<100000x128xf32, #tpu.memory_space<hbm>> -> memref<120x128xf32, #tpu.memory_space<hbm>>
    tpu.enqueue_dma source(%arg14 : memref<120x128xf32, #tpu.memory_space<vmem>>) target(%dma_start3A_324 : memref<120x128xf32, #tpu.memory_space<hbm>>) target_semaphore(%arg32 : memref<!tpu.dma_semaphore, #tpu.memory_space<semaphore_mem>>)
    %dma_wait3A_325 = arith.constant 0 : i32
    %dma_wait3A_326 = tpu.memref_slice %arg6[%multiple_of3A_30, %dma_wait3A_325] : memref<100000x128xf32, #tpu.memory_space<hbm>> -> memref<120x128xf32, #tpu.memory_space<hbm>>
    %dma_wait3A_327 = arith.constant 0 : i32
    %dma_wait3A_328 = tpu.memref_slice %arg6[%multiple_of3A_30, %dma_wait3A_327] : memref<100000x128xf32, #tpu.memory_space<hbm>> -> memref<120x128xf32, #tpu.memory_space<hbm>>
    tpu.wait_dma2 semaphore(%arg28 : memref<!tpu.dma_semaphore, #tpu.memory_space<semaphore_mem>>) src(%arg10 : memref<120x128xf32, #tpu.memory_space<vmem>>) dst(%dma_wait3A_328 : memref<120x128xf32, #tpu.memory_space<hbm>>)
    %dma_start3A_329 = arith.constant 0 : i32
    %dma_start3A_330 = tpu.memref_slice %arg4[%multiple_of3A_94, %dma_start3A_329] : memref<100000x128xf32, #tpu.memory_space<hbm>> -> memref<120x128xf32, #tpu.memory_space<hbm>>
    %dma_start3A_331 = arith.constant 0 : i32
    %dma_start3A_332 = tpu.memref_slice %arg4[%multiple_of3A_94, %dma_start3A_331] : memref<100000x128xf32, #tpu.memory_space<hbm>> -> memref<120x128xf32, #tpu.memory_space<hbm>>
    tpu.enqueue_dma source(%dma_start3A_332 : memref<120x128xf32, #tpu.memory_space<hbm>>) target(%arg10 : memref<120x128xf32, #tpu.memory_space<vmem>>) target_semaphore(%arg20 : memref<!tpu.dma_semaphore, #tpu.memory_space<semaphore_mem>>)
    %dma_wait3A_333 = arith.constant 0 : i32
    %dma_wait3A_334 = tpu.memref_slice %arg4[%multiple_of3A_70, %dma_wait3A_333] : memref<100000x128xf32, #tpu.memory_space<hbm>> -> memref<120x128xf32, #tpu.memory_space<hbm>>
    %dma_wait3A_335 = arith.constant 0 : i32
    %dma_wait3A_336 = tpu.memref_slice %arg4[%multiple_of3A_70, %dma_wait3A_335] : memref<100000x128xf32, #tpu.memory_space<hbm>> -> memref<120x128xf32, #tpu.memory_space<hbm>>
    tpu.wait_dma2 semaphore(%arg25 : memref<!tpu.dma_semaphore, #tpu.memory_space<semaphore_mem>>) src(%dma_wait3A_336 : memref<120x128xf32, #tpu.memory_space<hbm>>) dst(%arg15 : memref<120x128xf32, #tpu.memory_space<vmem>>)
    %dma_start3A_337 = arith.constant 0 : i32
    %dma_start3A_338 = tpu.memref_slice %arg6[%multiple_of3A_70, %dma_start3A_337] : memref<100000x128xf32, #tpu.memory_space<hbm>> -> memref<120x128xf32, #tpu.memory_space<hbm>>
    %dma_start3A_339 = arith.constant 0 : i32
    %dma_start3A_340 = tpu.memref_slice %arg6[%multiple_of3A_70, %dma_start3A_339] : memref<100000x128xf32, #tpu.memory_space<hbm>> -> memref<120x128xf32, #tpu.memory_space<hbm>>
    tpu.enqueue_dma source(%arg15 : memref<120x128xf32, #tpu.memory_space<vmem>>) target(%dma_start3A_340 : memref<120x128xf32, #tpu.memory_space<hbm>>) target_semaphore(%arg33 : memref<!tpu.dma_semaphore, #tpu.memory_space<semaphore_mem>>)
    %dma_wait3A_341 = arith.constant 0 : i32
    %dma_wait3A_342 = tpu.memref_slice %arg6[%multiple_of3A_38, %dma_wait3A_341] : memref<100000x128xf32, #tpu.memory_space<hbm>> -> memref<120x128xf32, #tpu.memory_space<hbm>>
    %dma_wait3A_343 = arith.constant 0 : i32
    %dma_wait3A_344 = tpu.memref_slice %arg6[%multiple_of3A_38, %dma_wait3A_343] : memref<100000x128xf32, #tpu.memory_space<hbm>> -> memref<120x128xf32, #tpu.memory_space<hbm>>
    tpu.wait_dma2 semaphore(%arg29 : memref<!tpu.dma_semaphore, #tpu.memory_space<semaphore_mem>>) src(%arg11 : memref<120x128xf32, #tpu.memory_space<vmem>>) dst(%dma_wait3A_344 : memref<120x128xf32, #tpu.memory_space<hbm>>)
    %dma_start3A_345 = arith.constant 0 : i32
    %dma_start3A_346 = tpu.memref_slice %arg4[%multiple_of3A_102, %dma_start3A_345] : memref<100000x128xf32, #tpu.memory_space<hbm>> -> memref<120x128xf32, #tpu.memory_space<hbm>>
    %dma_start3A_347 = arith.constant 0 : i32
    %dma_start3A_348 = tpu.memref_slice %arg4[%multiple_of3A_102, %dma_start3A_347] : memref<100000x128xf32, #tpu.memory_space<hbm>> -> memref<120x128xf32, #tpu.memory_space<hbm>>
    tpu.enqueue_dma source(%dma_start3A_348 : memref<120x128xf32, #tpu.memory_space<hbm>>) target(%arg11 : memref<120x128xf32, #tpu.memory_space<vmem>>) target_semaphore(%arg21 : memref<!tpu.dma_semaphore, #tpu.memory_space<semaphore_mem>>)
    %dma_wait3A_349 = arith.constant 0 : i32
    %dma_wait3A_350 = tpu.memref_slice %arg4[%multiple_of3A_78, %dma_wait3A_349] : memref<100000x128xf32, #tpu.memory_space<hbm>> -> memref<120x128xf32, #tpu.memory_space<hbm>>
    %dma_wait3A_351 = arith.constant 0 : i32
    %dma_wait3A_352 = tpu.memref_slice %arg4[%multiple_of3A_78, %dma_wait3A_351] : memref<100000x128xf32, #tpu.memory_space<hbm>> -> memref<120x128xf32, #tpu.memory_space<hbm>>
    tpu.wait_dma2 semaphore(%arg18 : memref<!tpu.dma_semaphore, #tpu.memory_space<semaphore_mem>>) src(%dma_wait3A_352 : memref<120x128xf32, #tpu.memory_space<hbm>>) dst(%arg8 : memref<120x128xf32, #tpu.memory_space<vmem>>)
    %dma_start3A_353 = arith.constant 0 : i32
    %dma_start3A_354 = tpu.memref_slice %arg6[%multiple_of3A_78, %dma_start3A_353] : memref<100000x128xf32, #tpu.memory_space<hbm>> -> memref<120x128xf32, #tpu.memory_space<hbm>>
    %dma_start3A_355 = arith.constant 0 : i32
    %dma_start3A_356 = tpu.memref_slice %arg6[%multiple_of3A_78, %dma_start3A_355] : memref<100000x128xf32, #tpu.memory_space<hbm>> -> memref<120x128xf32, #tpu.memory_space<hbm>>
    tpu.enqueue_dma source(%arg8 : memref<120x128xf32, #tpu.memory_space<vmem>>) target(%dma_start3A_356 : memref<120x128xf32, #tpu.memory_space<hbm>>) target_semaphore(%arg26 : memref<!tpu.dma_semaphore, #tpu.memory_space<semaphore_mem>>)
    %dma_wait3A_357 = arith.constant 0 : i32
    %dma_wait3A_358 = tpu.memref_slice %arg6[%multiple_of3A_46, %dma_wait3A_357] : memref<100000x128xf32, #tpu.memory_space<hbm>> -> memref<120x128xf32, #tpu.memory_space<hbm>>
    %dma_wait3A_359 = arith.constant 0 : i32
    %dma_wait3A_360 = tpu.memref_slice %arg6[%multiple_of3A_46, %dma_wait3A_359] : memref<100000x128xf32, #tpu.memory_space<hbm>> -> memref<120x128xf32, #tpu.memory_space<hbm>>
    tpu.wait_dma2 semaphore(%arg30 : memref<!tpu.dma_semaphore, #tpu.memory_space<semaphore_mem>>) src(%arg12 : memref<120x128xf32, #tpu.memory_space<vmem>>) dst(%dma_wait3A_360 : memref<120x128xf32, #tpu.memory_space<hbm>>)
    %dma_start3A_361 = arith.constant 0 : i32
    %dma_start3A_362 = tpu.memref_slice %arg4[%multiple_of3A_110, %dma_start3A_361] : memref<100000x128xf32, #tpu.memory_space<hbm>> -> memref<120x128xf32, #tpu.memory_space<hbm>>
    %dma_start3A_363 = arith.constant 0 : i32
    %dma_start3A_364 = tpu.memref_slice %arg4[%multiple_of3A_110, %dma_start3A_363] : memref<100000x128xf32, #tpu.memory_space<hbm>> -> memref<120x128xf32, #tpu.memory_space<hbm>>
    tpu.enqueue_dma source(%dma_start3A_364 : memref<120x128xf32, #tpu.memory_space<hbm>>) target(%arg12 : memref<120x128xf32, #tpu.memory_space<vmem>>) target_semaphore(%arg22 : memref<!tpu.dma_semaphore, #tpu.memory_space<semaphore_mem>>)
    %dma_wait3A_365 = arith.constant 0 : i32
    %dma_wait3A_366 = tpu.memref_slice %arg4[%multiple_of3A_86, %dma_wait3A_365] : memref<100000x128xf32, #tpu.memory_space<hbm>> -> memref<120x128xf32, #tpu.memory_space<hbm>>
    %dma_wait3A_367 = arith.constant 0 : i32
    %dma_wait3A_368 = tpu.memref_slice %arg4[%multiple_of3A_86, %dma_wait3A_367] : memref<100000x128xf32, #tpu.memory_space<hbm>> -> memref<120x128xf32, #tpu.memory_space<hbm>>
    tpu.wait_dma2 semaphore(%arg19 : memref<!tpu.dma_semaphore, #tpu.memory_space<semaphore_mem>>) src(%dma_wait3A_368 : memref<120x128xf32, #tpu.memory_space<hbm>>) dst(%arg9 : memref<120x128xf32, #tpu.memory_space<vmem>>)
    %dma_start3A_369 = arith.constant 0 : i32
    %dma_start3A_370 = tpu.memref_slice %arg6[%multiple_of3A_86, %dma_start3A_369] : memref<100000x128xf32, #tpu.memory_space<hbm>> -> memref<120x128xf32, #tpu.memory_space<hbm>>
    %dma_start3A_371 = arith.constant 0 : i32
    %dma_start3A_372 = tpu.memref_slice %arg6[%multiple_of3A_86, %dma_start3A_371] : memref<100000x128xf32, #tpu.memory_space<hbm>> -> memref<120x128xf32, #tpu.memory_space<hbm>>
    tpu.enqueue_dma source(%arg9 : memref<120x128xf32, #tpu.memory_space<vmem>>) target(%dma_start3A_372 : memref<120x128xf32, #tpu.memory_space<hbm>>) target_semaphore(%arg27 : memref<!tpu.dma_semaphore, #tpu.memory_space<semaphore_mem>>)
    %dma_wait3A_373 = arith.constant 0 : i32
    %dma_wait3A_374 = tpu.memref_slice %arg6[%multiple_of3A_54, %dma_wait3A_373] : memref<100000x128xf32, #tpu.memory_space<hbm>> -> memref<120x128xf32, #tpu.memory_space<hbm>>
    %dma_wait3A_375 = arith.constant 0 : i32
    %dma_wait3A_376 = tpu.memref_slice %arg6[%multiple_of3A_54, %dma_wait3A_375] : memref<100000x128xf32, #tpu.memory_space<hbm>> -> memref<120x128xf32, #tpu.memory_space<hbm>>
    tpu.wait_dma2 semaphore(%arg31 : memref<!tpu.dma_semaphore, #tpu.memory_space<semaphore_mem>>) src(%arg13 : memref<120x128xf32, #tpu.memory_space<vmem>>) dst(%dma_wait3A_376 : memref<120x128xf32, #tpu.memory_space<hbm>>)
    %dma_start3A_377 = arith.constant 0 : i32
    %dma_start3A_378 = tpu.memref_slice %arg4[%multiple_of3A_118, %dma_start3A_377] : memref<100000x128xf32, #tpu.memory_space<hbm>> -> memref<120x128xf32, #tpu.memory_space<hbm>>
    %dma_start3A_379 = arith.constant 0 : i32
    %dma_start3A_380 = tpu.memref_slice %arg4[%multiple_of3A_118, %dma_start3A_379] : memref<100000x128xf32, #tpu.memory_space<hbm>> -> memref<120x128xf32, #tpu.memory_space<hbm>>
    tpu.enqueue_dma source(%dma_start3A_380 : memref<120x128xf32, #tpu.memory_space<hbm>>) target(%arg13 : memref<120x128xf32, #tpu.memory_space<vmem>>) target_semaphore(%arg23 : memref<!tpu.dma_semaphore, #tpu.memory_space<semaphore_mem>>)
    %dma_wait3A_381 = arith.constant 0 : i32
    %dma_wait3A_382 = tpu.memref_slice %arg4[%multiple_of3A_94, %dma_wait3A_381] : memref<100000x128xf32, #tpu.memory_space<hbm>> -> memref<120x128xf32, #tpu.memory_space<hbm>>
    %dma_wait3A_383 = arith.constant 0 : i32
    %dma_wait3A_384 = tpu.memref_slice %arg4[%multiple_of3A_94, %dma_wait3A_383] : memref<100000x128xf32, #tpu.memory_space<hbm>> -> memref<120x128xf32, #tpu.memory_space<hbm>>
    tpu.wait_dma2 semaphore(%arg20 : memref<!tpu.dma_semaphore, #tpu.memory_space<semaphore_mem>>) src(%dma_wait3A_384 : memref<120x128xf32, #tpu.memory_space<hbm>>) dst(%arg10 : memref<120x128xf32, #tpu.memory_space<vmem>>)
    %dma_start3A_385 = arith.constant 0 : i32
    %dma_start3A_386 = tpu.memref_slice %arg6[%multiple_of3A_94, %dma_start3A_385] : memref<100000x128xf32, #tpu.memory_space<hbm>> -> memref<120x128xf32, #tpu.memory_space<hbm>>
    %dma_start3A_387 = arith.constant 0 : i32
    %dma_start3A_388 = tpu.memref_slice %arg6[%multiple_of3A_94, %dma_start3A_387] : memref<100000x128xf32, #tpu.memory_space<hbm>> -> memref<120x128xf32, #tpu.memory_space<hbm>>
    tpu.enqueue_dma source(%arg10 : memref<120x128xf32, #tpu.memory_space<vmem>>) target(%dma_start3A_388 : memref<120x128xf32, #tpu.memory_space<hbm>>) target_semaphore(%arg28 : memref<!tpu.dma_semaphore, #tpu.memory_space<semaphore_mem>>)
    %dma_wait3A_389 = arith.constant 0 : i32
    %dma_wait3A_390 = tpu.memref_slice %arg6[%multiple_of3A_62, %dma_wait3A_389] : memref<100000x128xf32, #tpu.memory_space<hbm>> -> memref<120x128xf32, #tpu.memory_space<hbm>>
    %dma_wait3A_391 = arith.constant 0 : i32
    %dma_wait3A_392 = tpu.memref_slice %arg6[%multiple_of3A_62, %dma_wait3A_391] : memref<100000x128xf32, #tpu.memory_space<hbm>> -> memref<120x128xf32, #tpu.memory_space<hbm>>
    tpu.wait_dma2 semaphore(%arg32 : memref<!tpu.dma_semaphore, #tpu.memory_space<semaphore_mem>>) src(%arg14 : memref<120x128xf32, #tpu.memory_space<vmem>>) dst(%dma_wait3A_392 : memref<120x128xf32, #tpu.memory_space<hbm>>)
    %dma_start3A_393 = arith.constant 0 : i32
    %dma_start3A_394 = tpu.memref_slice %arg4[%multiple_of3A_126, %dma_start3A_393] : memref<100000x128xf32, #tpu.memory_space<hbm>> -> memref<120x128xf32, #tpu.memory_space<hbm>>
    %dma_start3A_395 = arith.constant 0 : i32
    %dma_start3A_396 = tpu.memref_slice %arg4[%multiple_of3A_126, %dma_start3A_395] : memref<100000x128xf32, #tpu.memory_space<hbm>> -> memref<120x128xf32, #tpu.memory_space<hbm>>
    tpu.enqueue_dma source(%dma_start3A_396 : memref<120x128xf32, #tpu.memory_space<hbm>>) target(%arg14 : memref<120x128xf32, #tpu.memory_space<vmem>>) target_semaphore(%arg24 : memref<!tpu.dma_semaphore, #tpu.memory_space<semaphore_mem>>)
    %dma_wait3A_397 = arith.constant 0 : i32
    %dma_wait3A_398 = tpu.memref_slice %arg4[%multiple_of3A_102, %dma_wait3A_397] : memref<100000x128xf32, #tpu.memory_space<hbm>> -> memref<120x128xf32, #tpu.memory_space<hbm>>
    %dma_wait3A_399 = arith.constant 0 : i32
    %dma_wait3A_400 = tpu.memref_slice %arg4[%multiple_of3A_102, %dma_wait3A_399] : memref<100000x128xf32, #tpu.memory_space<hbm>> -> memref<120x128xf32, #tpu.memory_space<hbm>>
    tpu.wait_dma2 semaphore(%arg21 : memref<!tpu.dma_semaphore, #tpu.memory_space<semaphore_mem>>) src(%dma_wait3A_400 : memref<120x128xf32, #tpu.memory_space<hbm>>) dst(%arg11 : memref<120x128xf32, #tpu.memory_space<vmem>>)
    %dma_start3A_401 = arith.constant 0 : i32
    %dma_start3A_402 = tpu.memref_slice %arg6[%multiple_of3A_102, %dma_start3A_401] : memref<100000x128xf32, #tpu.memory_space<hbm>> -> memref<120x128xf32, #tpu.memory_space<hbm>>
    %dma_start3A_403 = arith.constant 0 : i32
    %dma_start3A_404 = tpu.memref_slice %arg6[%multiple_of3A_102, %dma_start3A_403] : memref<100000x128xf32, #tpu.memory_space<hbm>> -> memref<120x128xf32, #tpu.memory_space<hbm>>
    tpu.enqueue_dma source(%arg11 : memref<120x128xf32, #tpu.memory_space<vmem>>) target(%dma_start3A_404 : memref<120x128xf32, #tpu.memory_space<hbm>>) target_semaphore(%arg29 : memref<!tpu.dma_semaphore, #tpu.memory_space<semaphore_mem>>)
    %dma_wait3A_405 = arith.constant 0 : i32
    %dma_wait3A_406 = tpu.memref_slice %arg6[%multiple_of3A_70, %dma_wait3A_405] : memref<100000x128xf32, #tpu.memory_space<hbm>> -> memref<120x128xf32, #tpu.memory_space<hbm>>
    %dma_wait3A_407 = arith.constant 0 : i32
    %dma_wait3A_408 = tpu.memref_slice %arg6[%multiple_of3A_70, %dma_wait3A_407] : memref<100000x128xf32, #tpu.memory_space<hbm>> -> memref<120x128xf32, #tpu.memory_space<hbm>>
    tpu.wait_dma2 semaphore(%arg33 : memref<!tpu.dma_semaphore, #tpu.memory_space<semaphore_mem>>) src(%arg15 : memref<120x128xf32, #tpu.memory_space<vmem>>) dst(%dma_wait3A_408 : memref<120x128xf32, #tpu.memory_space<hbm>>)
    %dma_start3A_409 = arith.constant 0 : i32
    %dma_start3A_410 = tpu.memref_slice %arg4[%multiple_of3A_134, %dma_start3A_409] : memref<100000x128xf32, #tpu.memory_space<hbm>> -> memref<120x128xf32, #tpu.memory_space<hbm>>
    %dma_start3A_411 = arith.constant 0 : i32
    %dma_start3A_412 = tpu.memref_slice %arg4[%multiple_of3A_134, %dma_start3A_411] : memref<100000x128xf32, #tpu.memory_space<hbm>> -> memref<120x128xf32, #tpu.memory_space<hbm>>
    tpu.enqueue_dma source(%dma_start3A_412 : memref<120x128xf32, #tpu.memory_space<hbm>>) target(%arg15 : memref<120x128xf32, #tpu.memory_space<vmem>>) target_semaphore(%arg25 : memref<!tpu.dma_semaphore, #tpu.memory_space<semaphore_mem>>)
    %dma_wait3A_413 = arith.constant 0 : i32
    %dma_wait3A_414 = tpu.memref_slice %arg4[%multiple_of3A_110, %dma_wait3A_413] : memref<100000x128xf32, #tpu.memory_space<hbm>> -> memref<120x128xf32, #tpu.memory_space<hbm>>
    %dma_wait3A_415 = arith.constant 0 : i32
    %dma_wait3A_416 = tpu.memref_slice %arg4[%multiple_of3A_110, %dma_wait3A_415] : memref<100000x128xf32, #tpu.memory_space<hbm>> -> memref<120x128xf32, #tpu.memory_space<hbm>>
    tpu.wait_dma2 semaphore(%arg22 : memref<!tpu.dma_semaphore, #tpu.memory_space<semaphore_mem>>) src(%dma_wait3A_416 : memref<120x128xf32, #tpu.memory_space<hbm>>) dst(%arg12 : memref<120x128xf32, #tpu.memory_space<vmem>>)
    %dma_start3A_417 = arith.constant 0 : i32
    %dma_start3A_418 = tpu.memref_slice %arg6[%multiple_of3A_110, %dma_start3A_417] : memref<100000x128xf32, #tpu.memory_space<hbm>> -> memref<120x128xf32, #tpu.memory_space<hbm>>
    %dma_start3A_419 = arith.constant 0 : i32
    %dma_start3A_420 = tpu.memref_slice %arg6[%multiple_of3A_110, %dma_start3A_419] : memref<100000x128xf32, #tpu.memory_space<hbm>> -> memref<120x128xf32, #tpu.memory_space<hbm>>
    tpu.enqueue_dma source(%arg12 : memref<120x128xf32, #tpu.memory_space<vmem>>) target(%dma_start3A_420 : memref<120x128xf32, #tpu.memory_space<hbm>>) target_semaphore(%arg30 : memref<!tpu.dma_semaphore, #tpu.memory_space<semaphore_mem>>)
    %dma_wait3A_421 = arith.constant 0 : i32
    %dma_wait3A_422 = tpu.memref_slice %arg6[%multiple_of3A_78, %dma_wait3A_421] : memref<100000x128xf32, #tpu.memory_space<hbm>> -> memref<120x128xf32, #tpu.memory_space<hbm>>
    %dma_wait3A_423 = arith.constant 0 : i32
    %dma_wait3A_424 = tpu.memref_slice %arg6[%multiple_of3A_78, %dma_wait3A_423] : memref<100000x128xf32, #tpu.memory_space<hbm>> -> memref<120x128xf32, #tpu.memory_space<hbm>>
    tpu.wait_dma2 semaphore(%arg26 : memref<!tpu.dma_semaphore, #tpu.memory_space<semaphore_mem>>) src(%arg8 : memref<120x128xf32, #tpu.memory_space<vmem>>) dst(%dma_wait3A_424 : memref<120x128xf32, #tpu.memory_space<hbm>>)
    %dma_start3A_425 = arith.constant 0 : i32
    %dma_start3A_426 = tpu.memref_slice %arg4[%multiple_of3A_142, %dma_start3A_425] : memref<100000x128xf32, #tpu.memory_space<hbm>> -> memref<120x128xf32, #tpu.memory_space<hbm>>
    %dma_start3A_427 = arith.constant 0 : i32
    %dma_start3A_428 = tpu.memref_slice %arg4[%multiple_of3A_142, %dma_start3A_427] : memref<100000x128xf32, #tpu.memory_space<hbm>> -> memref<120x128xf32, #tpu.memory_space<hbm>>
    tpu.enqueue_dma source(%dma_start3A_428 : memref<120x128xf32, #tpu.memory_space<hbm>>) target(%arg8 : memref<120x128xf32, #tpu.memory_space<vmem>>) target_semaphore(%arg18 : memref<!tpu.dma_semaphore, #tpu.memory_space<semaphore_mem>>)
    %dma_wait3A_429 = arith.constant 0 : i32
    %dma_wait3A_430 = tpu.memref_slice %arg4[%multiple_of3A_118, %dma_wait3A_429] : memref<100000x128xf32, #tpu.memory_space<hbm>> -> memref<120x128xf32, #tpu.memory_space<hbm>>
    %dma_wait3A_431 = arith.constant 0 : i32
    %dma_wait3A_432 = tpu.memref_slice %arg4[%multiple_of3A_118, %dma_wait3A_431] : memref<100000x128xf32, #tpu.memory_space<hbm>> -> memref<120x128xf32, #tpu.memory_space<hbm>>
    tpu.wait_dma2 semaphore(%arg23 : memref<!tpu.dma_semaphore, #tpu.memory_space<semaphore_mem>>) src(%dma_wait3A_432 : memref<120x128xf32, #tpu.memory_space<hbm>>) dst(%arg13 : memref<120x128xf32, #tpu.memory_space<vmem>>)
    %dma_start3A_433 = arith.constant 0 : i32
    %dma_start3A_434 = tpu.memref_slice %arg6[%multiple_of3A_118, %dma_start3A_433] : memref<100000x128xf32, #tpu.memory_space<hbm>> -> memref<120x128xf32, #tpu.memory_space<hbm>>
    %dma_start3A_435 = arith.constant 0 : i32
    %dma_start3A_436 = tpu.memref_slice %arg6[%multiple_of3A_118, %dma_start3A_435] : memref<100000x128xf32, #tpu.memory_space<hbm>> -> memref<120x128xf32, #tpu.memory_space<hbm>>
    tpu.enqueue_dma source(%arg13 : memref<120x128xf32, #tpu.memory_space<vmem>>) target(%dma_start3A_436 : memref<120x128xf32, #tpu.memory_space<hbm>>) target_semaphore(%arg31 : memref<!tpu.dma_semaphore, #tpu.memory_space<semaphore_mem>>)
    %dma_wait3A_437 = arith.constant 0 : i32
    %dma_wait3A_438 = tpu.memref_slice %arg6[%multiple_of3A_86, %dma_wait3A_437] : memref<100000x128xf32, #tpu.memory_space<hbm>> -> memref<120x128xf32, #tpu.memory_space<hbm>>
    %dma_wait3A_439 = arith.constant 0 : i32
    %dma_wait3A_440 = tpu.memref_slice %arg6[%multiple_of3A_86, %dma_wait3A_439] : memref<100000x128xf32, #tpu.memory_space<hbm>> -> memref<120x128xf32, #tpu.memory_space<hbm>>
    tpu.wait_dma2 semaphore(%arg27 : memref<!tpu.dma_semaphore, #tpu.memory_space<semaphore_mem>>) src(%arg9 : memref<120x128xf32, #tpu.memory_space<vmem>>) dst(%dma_wait3A_440 : memref<120x128xf32, #tpu.memory_space<hbm>>)
    %dma_start3A_441 = arith.constant 0 : i32
    %dma_start3A_442 = tpu.memref_slice %arg4[%multiple_of3A_150, %dma_start3A_441] : memref<100000x128xf32, #tpu.memory_space<hbm>> -> memref<120x128xf32, #tpu.memory_space<hbm>>
    %dma_start3A_443 = arith.constant 0 : i32
    %dma_start3A_444 = tpu.memref_slice %arg4[%multiple_of3A_150, %dma_start3A_443] : memref<100000x128xf32, #tpu.memory_space<hbm>> -> memref<120x128xf32, #tpu.memory_space<hbm>>
    tpu.enqueue_dma source(%dma_start3A_444 : memref<120x128xf32, #tpu.memory_space<hbm>>) target(%arg9 : memref<120x128xf32, #tpu.memory_space<vmem>>) target_semaphore(%arg19 : memref<!tpu.dma_semaphore, #tpu.memory_space<semaphore_mem>>)
    %dma_wait3A_445 = arith.constant 0 : i32
    %dma_wait3A_446 = tpu.memref_slice %arg4[%multiple_of3A_126, %dma_wait3A_445] : memref<100000x128xf32, #tpu.memory_space<hbm>> -> memref<120x128xf32, #tpu.memory_space<hbm>>
    %dma_wait3A_447 = arith.constant 0 : i32
    %dma_wait3A_448 = tpu.memref_slice %arg4[%multiple_of3A_126, %dma_wait3A_447] : memref<100000x128xf32, #tpu.memory_space<hbm>> -> memref<120x128xf32, #tpu.memory_space<hbm>>
    tpu.wait_dma2 semaphore(%arg24 : memref<!tpu.dma_semaphore, #tpu.memory_space<semaphore_mem>>) src(%dma_wait3A_448 : memref<120x128xf32, #tpu.memory_space<hbm>>) dst(%arg14 : memref<120x128xf32, #tpu.memory_space<vmem>>)
    %dma_start3A_449 = arith.constant 0 : i32
    %dma_start3A_450 = tpu.memref_slice %arg6[%multiple_of3A_126, %dma_start3A_449] : memref<100000x128xf32, #tpu.memory_space<hbm>> -> memref<120x128xf32, #tpu.memory_space<hbm>>
    %dma_start3A_451 = arith.constant 0 : i32
    %dma_start3A_452 = tpu.memref_slice %arg6[%multiple_of3A_126, %dma_start3A_451] : memref<100000x128xf32, #tpu.memory_space<hbm>> -> memref<120x128xf32, #tpu.memory_space<hbm>>
    tpu.enqueue_dma source(%arg14 : memref<120x128xf32, #tpu.memory_space<vmem>>) target(%dma_start3A_452 : memref<120x128xf32, #tpu.memory_space<hbm>>) target_semaphore(%arg32 : memref<!tpu.dma_semaphore, #tpu.memory_space<semaphore_mem>>)
    %dma_wait3A_453 = arith.constant 0 : i32
    %dma_wait3A_454 = tpu.memref_slice %arg6[%multiple_of3A_94, %dma_wait3A_453] : memref<100000x128xf32, #tpu.memory_space<hbm>> -> memref<120x128xf32, #tpu.memory_space<hbm>>
    %dma_wait3A_455 = arith.constant 0 : i32
    %dma_wait3A_456 = tpu.memref_slice %arg6[%multiple_of3A_94, %dma_wait3A_455] : memref<100000x128xf32, #tpu.memory_space<hbm>> -> memref<120x128xf32, #tpu.memory_space<hbm>>
    tpu.wait_dma2 semaphore(%arg28 : memref<!tpu.dma_semaphore, #tpu.memory_space<semaphore_mem>>) src(%arg10 : memref<120x128xf32, #tpu.memory_space<vmem>>) dst(%dma_wait3A_456 : memref<120x128xf32, #tpu.memory_space<hbm>>)
    %dma_start3A_457 = arith.constant 0 : i32
    %dma_start3A_458 = tpu.memref_slice %arg4[%multiple_of3A_158, %dma_start3A_457] : memref<100000x128xf32, #tpu.memory_space<hbm>> -> memref<120x128xf32, #tpu.memory_space<hbm>>
    %dma_start3A_459 = arith.constant 0 : i32
    %dma_start3A_460 = tpu.memref_slice %arg4[%multiple_of3A_158, %dma_start3A_459] : memref<100000x128xf32, #tpu.memory_space<hbm>> -> memref<120x128xf32, #tpu.memory_space<hbm>>
    tpu.enqueue_dma source(%dma_start3A_460 : memref<120x128xf32, #tpu.memory_space<hbm>>) target(%arg10 : memref<120x128xf32, #tpu.memory_space<vmem>>) target_semaphore(%arg20 : memref<!tpu.dma_semaphore, #tpu.memory_space<semaphore_mem>>)
    %dma_wait3A_461 = arith.constant 0 : i32
    %dma_wait3A_462 = tpu.memref_slice %arg4[%multiple_of3A_134, %dma_wait3A_461] : memref<100000x128xf32, #tpu.memory_space<hbm>> -> memref<120x128xf32, #tpu.memory_space<hbm>>
    %dma_wait3A_463 = arith.constant 0 : i32
    %dma_wait3A_464 = tpu.memref_slice %arg4[%multiple_of3A_134, %dma_wait3A_463] : memref<100000x128xf32, #tpu.memory_space<hbm>> -> memref<120x128xf32, #tpu.memory_space<hbm>>
    tpu.wait_dma2 semaphore(%arg25 : memref<!tpu.dma_semaphore, #tpu.memory_space<semaphore_mem>>) src(%dma_wait3A_464 : memref<120x128xf32, #tpu.memory_space<hbm>>) dst(%arg15 : memref<120x128xf32, #tpu.memory_space<vmem>>)
    %dma_start3A_465 = arith.constant 0 : i32
    %dma_start3A_466 = tpu.memref_slice %arg6[%multiple_of3A_134, %dma_start3A_465] : memref<100000x128xf32, #tpu.memory_space<hbm>> -> memref<120x128xf32, #tpu.memory_space<hbm>>
    %dma_start3A_467 = arith.constant 0 : i32
    %dma_start3A_468 = tpu.memref_slice %arg6[%multiple_of3A_134, %dma_start3A_467] : memref<100000x128xf32, #tpu.memory_space<hbm>> -> memref<120x128xf32, #tpu.memory_space<hbm>>
    tpu.enqueue_dma source(%arg15 : memref<120x128xf32, #tpu.memory_space<vmem>>) target(%dma_start3A_468 : memref<120x128xf32, #tpu.memory_space<hbm>>) target_semaphore(%arg33 : memref<!tpu.dma_semaphore, #tpu.memory_space<semaphore_mem>>)
    %dma_wait3A_469 = arith.constant 0 : i32
    %dma_wait3A_470 = tpu.memref_slice %arg6[%multiple_of3A_102, %dma_wait3A_469] : memref<100000x128xf32, #tpu.memory_space<hbm>> -> memref<120x128xf32, #tpu.memory_space<hbm>>
    %dma_wait3A_471 = arith.constant 0 : i32
    %dma_wait3A_472 = tpu.memref_slice %arg6[%multiple_of3A_102, %dma_wait3A_471] : memref<100000x128xf32, #tpu.memory_space<hbm>> -> memref<120x128xf32, #tpu.memory_space<hbm>>
    tpu.wait_dma2 semaphore(%arg29 : memref<!tpu.dma_semaphore, #tpu.memory_space<semaphore_mem>>) src(%arg11 : memref<120x128xf32, #tpu.memory_space<vmem>>) dst(%dma_wait3A_472 : memref<120x128xf32, #tpu.memory_space<hbm>>)
    %dma_start3A_473 = arith.constant 0 : i32
    %dma_start3A_474 = tpu.memref_slice %arg4[%multiple_of3A_166, %dma_start3A_473] : memref<100000x128xf32, #tpu.memory_space<hbm>> -> memref<120x128xf32, #tpu.memory_space<hbm>>
    %dma_start3A_475 = arith.constant 0 : i32
    %dma_start3A_476 = tpu.memref_slice %arg4[%multiple_of3A_166, %dma_start3A_475] : memref<100000x128xf32, #tpu.memory_space<hbm>> -> memref<120x128xf32, #tpu.memory_space<hbm>>
    tpu.enqueue_dma source(%dma_start3A_476 : memref<120x128xf32, #tpu.memory_space<hbm>>) target(%arg11 : memref<120x128xf32, #tpu.memory_space<vmem>>) target_semaphore(%arg21 : memref<!tpu.dma_semaphore, #tpu.memory_space<semaphore_mem>>)
    %dma_wait3A_477 = arith.constant 0 : i32
    %dma_wait3A_478 = tpu.memref_slice %arg4[%multiple_of3A_142, %dma_wait3A_477] : memref<100000x128xf32, #tpu.memory_space<hbm>> -> memref<120x128xf32, #tpu.memory_space<hbm>>
    %dma_wait3A_479 = arith.constant 0 : i32
    %dma_wait3A_480 = tpu.memref_slice %arg4[%multiple_of3A_142, %dma_wait3A_479] : memref<100000x128xf32, #tpu.memory_space<hbm>> -> memref<120x128xf32, #tpu.memory_space<hbm>>
    tpu.wait_dma2 semaphore(%arg18 : memref<!tpu.dma_semaphore, #tpu.memory_space<semaphore_mem>>) src(%dma_wait3A_480 : memref<120x128xf32, #tpu.memory_space<hbm>>) dst(%arg8 : memref<120x128xf32, #tpu.memory_space<vmem>>)
    %dma_start3A_481 = arith.constant 0 : i32
    %dma_start3A_482 = tpu.memref_slice %arg6[%multiple_of3A_142, %dma_start3A_481] : memref<100000x128xf32, #tpu.memory_space<hbm>> -> memref<120x128xf32, #tpu.memory_space<hbm>>
    %dma_start3A_483 = arith.constant 0 : i32
    %dma_start3A_484 = tpu.memref_slice %arg6[%multiple_of3A_142, %dma_start3A_483] : memref<100000x128xf32, #tpu.memory_space<hbm>> -> memref<120x128xf32, #tpu.memory_space<hbm>>
    tpu.enqueue_dma source(%arg8 : memref<120x128xf32, #tpu.memory_space<vmem>>) target(%dma_start3A_484 : memref<120x128xf32, #tpu.memory_space<hbm>>) target_semaphore(%arg26 : memref<!tpu.dma_semaphore, #tpu.memory_space<semaphore_mem>>)
    %dma_wait3A_485 = arith.constant 0 : i32
    %dma_wait3A_486 = tpu.memref_slice %arg6[%multiple_of3A_110, %dma_wait3A_485] : memref<100000x128xf32, #tpu.memory_space<hbm>> -> memref<120x128xf32, #tpu.memory_space<hbm>>
    %dma_wait3A_487 = arith.constant 0 : i32
    %dma_wait3A_488 = tpu.memref_slice %arg6[%multiple_of3A_110, %dma_wait3A_487] : memref<100000x128xf32, #tpu.memory_space<hbm>> -> memref<120x128xf32, #tpu.memory_space<hbm>>
    tpu.wait_dma2 semaphore(%arg30 : memref<!tpu.dma_semaphore, #tpu.memory_space<semaphore_mem>>) src(%arg12 : memref<120x128xf32, #tpu.memory_space<vmem>>) dst(%dma_wait3A_488 : memref<120x128xf32, #tpu.memory_space<hbm>>)
    %dma_start3A_489 = arith.constant 0 : i32
    %dma_start3A_490 = tpu.memref_slice %arg4[%multiple_of3A_174, %dma_start3A_489] : memref<100000x128xf32, #tpu.memory_space<hbm>> -> memref<120x128xf32, #tpu.memory_space<hbm>>
    %dma_start3A_491 = arith.constant 0 : i32
    %dma_start3A_492 = tpu.memref_slice %arg4[%multiple_of3A_174, %dma_start3A_491] : memref<100000x128xf32, #tpu.memory_space<hbm>> -> memref<120x128xf32, #tpu.memory_space<hbm>>
    tpu.enqueue_dma source(%dma_start3A_492 : memref<120x128xf32, #tpu.memory_space<hbm>>) target(%arg12 : memref<120x128xf32, #tpu.memory_space<vmem>>) target_semaphore(%arg22 : memref<!tpu.dma_semaphore, #tpu.memory_space<semaphore_mem>>)
    %dma_wait3A_493 = arith.constant 0 : i32
    %dma_wait3A_494 = tpu.memref_slice %arg4[%multiple_of3A_150, %dma_wait3A_493] : memref<100000x128xf32, #tpu.memory_space<hbm>> -> memref<120x128xf32, #tpu.memory_space<hbm>>
    %dma_wait3A_495 = arith.constant 0 : i32
    %dma_wait3A_496 = tpu.memref_slice %arg4[%multiple_of3A_150, %dma_wait3A_495] : memref<100000x128xf32, #tpu.memory_space<hbm>> -> memref<120x128xf32, #tpu.memory_space<hbm>>
    tpu.wait_dma2 semaphore(%arg19 : memref<!tpu.dma_semaphore, #tpu.memory_space<semaphore_mem>>) src(%dma_wait3A_496 : memref<120x128xf32, #tpu.memory_space<hbm>>) dst(%arg9 : memref<120x128xf32, #tpu.memory_space<vmem>>)
    %dma_start3A_497 = arith.constant 0 : i32
    %dma_start3A_498 = tpu.memref_slice %arg6[%multiple_of3A_150, %dma_start3A_497] : memref<100000x128xf32, #tpu.memory_space<hbm>> -> memref<120x128xf32, #tpu.memory_space<hbm>>
    %dma_start3A_499 = arith.constant 0 : i32
    %dma_start3A_500 = tpu.memref_slice %arg6[%multiple_of3A_150, %dma_start3A_499] : memref<100000x128xf32, #tpu.memory_space<hbm>> -> memref<120x128xf32, #tpu.memory_space<hbm>>
    tpu.enqueue_dma source(%arg9 : memref<120x128xf32, #tpu.memory_space<vmem>>) target(%dma_start3A_500 : memref<120x128xf32, #tpu.memory_space<hbm>>) target_semaphore(%arg27 : memref<!tpu.dma_semaphore, #tpu.memory_space<semaphore_mem>>)
    %dma_wait3A_501 = arith.constant 0 : i32
    %dma_wait3A_502 = tpu.memref_slice %arg6[%multiple_of3A_118, %dma_wait3A_501] : memref<100000x128xf32, #tpu.memory_space<hbm>> -> memref<120x128xf32, #tpu.memory_space<hbm>>
    %dma_wait3A_503 = arith.constant 0 : i32
    %dma_wait3A_504 = tpu.memref_slice %arg6[%multiple_of3A_118, %dma_wait3A_503] : memref<100000x128xf32, #tpu.memory_space<hbm>> -> memref<120x128xf32, #tpu.memory_space<hbm>>
    tpu.wait_dma2 semaphore(%arg31 : memref<!tpu.dma_semaphore, #tpu.memory_space<semaphore_mem>>) src(%arg13 : memref<120x128xf32, #tpu.memory_space<vmem>>) dst(%dma_wait3A_504 : memref<120x128xf32, #tpu.memory_space<hbm>>)
    %dma_start3A_505 = arith.constant 0 : i32
    %dma_start3A_506 = tpu.memref_slice %arg4[%multiple_of3A_182, %dma_start3A_505] : memref<100000x128xf32, #tpu.memory_space<hbm>> -> memref<120x128xf32, #tpu.memory_space<hbm>>
    %dma_start3A_507 = arith.constant 0 : i32
    %dma_start3A_508 = tpu.memref_slice %arg4[%multiple_of3A_182, %dma_start3A_507] : memref<100000x128xf32, #tpu.memory_space<hbm>> -> memref<120x128xf32, #tpu.memory_space<hbm>>
    tpu.enqueue_dma source(%dma_start3A_508 : memref<120x128xf32, #tpu.memory_space<hbm>>) target(%arg13 : memref<120x128xf32, #tpu.memory_space<vmem>>) target_semaphore(%arg23 : memref<!tpu.dma_semaphore, #tpu.memory_space<semaphore_mem>>)
    %dma_wait3A_509 = arith.constant 0 : i32
    %dma_wait3A_510 = tpu.memref_slice %arg4[%multiple_of3A_158, %dma_wait3A_509] : memref<100000x128xf32, #tpu.memory_space<hbm>> -> memref<120x128xf32, #tpu.memory_space<hbm>>
    %dma_wait3A_511 = arith.constant 0 : i32
    %dma_wait3A_512 = tpu.memref_slice %arg4[%multiple_of3A_158, %dma_wait3A_511] : memref<100000x128xf32, #tpu.memory_space<hbm>> -> memref<120x128xf32, #tpu.memory_space<hbm>>
    tpu.wait_dma2 semaphore(%arg20 : memref<!tpu.dma_semaphore, #tpu.memory_space<semaphore_mem>>) src(%dma_wait3A_512 : memref<120x128xf32, #tpu.memory_space<hbm>>) dst(%arg10 : memref<120x128xf32, #tpu.memory_space<vmem>>)
    %dma_start3A_513 = arith.constant 0 : i32
    %dma_start3A_514 = tpu.memref_slice %arg6[%multiple_of3A_158, %dma_start3A_513] : memref<100000x128xf32, #tpu.memory_space<hbm>> -> memref<120x128xf32, #tpu.memory_space<hbm>>
    %dma_start3A_515 = arith.constant 0 : i32
    %dma_start3A_516 = tpu.memref_slice %arg6[%multiple_of3A_158, %dma_start3A_515] : memref<100000x128xf32, #tpu.memory_space<hbm>> -> memref<120x128xf32, #tpu.memory_space<hbm>>
    tpu.enqueue_dma source(%arg10 : memref<120x128xf32, #tpu.memory_space<vmem>>) target(%dma_start3A_516 : memref<120x128xf32, #tpu.memory_space<hbm>>) target_semaphore(%arg28 : memref<!tpu.dma_semaphore, #tpu.memory_space<semaphore_mem>>)
    %dma_wait3A_517 = arith.constant 0 : i32
    %dma_wait3A_518 = tpu.memref_slice %arg6[%multiple_of3A_126, %dma_wait3A_517] : memref<100000x128xf32, #tpu.memory_space<hbm>> -> memref<120x128xf32, #tpu.memory_space<hbm>>
    %dma_wait3A_519 = arith.constant 0 : i32
    %dma_wait3A_520 = tpu.memref_slice %arg6[%multiple_of3A_126, %dma_wait3A_519] : memref<100000x128xf32, #tpu.memory_space<hbm>> -> memref<120x128xf32, #tpu.memory_space<hbm>>
    tpu.wait_dma2 semaphore(%arg32 : memref<!tpu.dma_semaphore, #tpu.memory_space<semaphore_mem>>) src(%arg14 : memref<120x128xf32, #tpu.memory_space<vmem>>) dst(%dma_wait3A_520 : memref<120x128xf32, #tpu.memory_space<hbm>>)
    %dma_start3A_521 = arith.constant 0 : i32
    %dma_start3A_522 = tpu.memref_slice %arg4[%multiple_of3A_190, %dma_start3A_521] : memref<100000x128xf32, #tpu.memory_space<hbm>> -> memref<120x128xf32, #tpu.memory_space<hbm>>
    %dma_start3A_523 = arith.constant 0 : i32
    %dma_start3A_524 = tpu.memref_slice %arg4[%multiple_of3A_190, %dma_start3A_523] : memref<100000x128xf32, #tpu.memory_space<hbm>> -> memref<120x128xf32, #tpu.memory_space<hbm>>
    tpu.enqueue_dma source(%dma_start3A_524 : memref<120x128xf32, #tpu.memory_space<hbm>>) target(%arg14 : memref<120x128xf32, #tpu.memory_space<vmem>>) target_semaphore(%arg24 : memref<!tpu.dma_semaphore, #tpu.memory_space<semaphore_mem>>)
    %dma_wait3A_525 = arith.constant 0 : i32
    %dma_wait3A_526 = tpu.memref_slice %arg4[%multiple_of3A_166, %dma_wait3A_525] : memref<100000x128xf32, #tpu.memory_space<hbm>> -> memref<120x128xf32, #tpu.memory_space<hbm>>
    %dma_wait3A_527 = arith.constant 0 : i32
    %dma_wait3A_528 = tpu.memref_slice %arg4[%multiple_of3A_166, %dma_wait3A_527] : memref<100000x128xf32, #tpu.memory_space<hbm>> -> memref<120x128xf32, #tpu.memory_space<hbm>>
    tpu.wait_dma2 semaphore(%arg21 : memref<!tpu.dma_semaphore, #tpu.memory_space<semaphore_mem>>) src(%dma_wait3A_528 : memref<120x128xf32, #tpu.memory_space<hbm>>) dst(%arg11 : memref<120x128xf32, #tpu.memory_space<vmem>>)
    %dma_start3A_529 = arith.constant 0 : i32
    %dma_start3A_530 = tpu.memref_slice %arg6[%multiple_of3A_166, %dma_start3A_529] : memref<100000x128xf32, #tpu.memory_space<hbm>> -> memref<120x128xf32, #tpu.memory_space<hbm>>
    %dma_start3A_531 = arith.constant 0 : i32
    %dma_start3A_532 = tpu.memref_slice %arg6[%multiple_of3A_166, %dma_start3A_531] : memref<100000x128xf32, #tpu.memory_space<hbm>> -> memref<120x128xf32, #tpu.memory_space<hbm>>
    tpu.enqueue_dma source(%arg11 : memref<120x128xf32, #tpu.memory_space<vmem>>) target(%dma_start3A_532 : memref<120x128xf32, #tpu.memory_space<hbm>>) target_semaphore(%arg29 : memref<!tpu.dma_semaphore, #tpu.memory_space<semaphore_mem>>)
    %dma_wait3A_533 = arith.constant 0 : i32
    %dma_wait3A_534 = tpu.memref_slice %arg6[%multiple_of3A_134, %dma_wait3A_533] : memref<100000x128xf32, #tpu.memory_space<hbm>> -> memref<120x128xf32, #tpu.memory_space<hbm>>
    %dma_wait3A_535 = arith.constant 0 : i32
    %dma_wait3A_536 = tpu.memref_slice %arg6[%multiple_of3A_134, %dma_wait3A_535] : memref<100000x128xf32, #tpu.memory_space<hbm>> -> memref<120x128xf32, #tpu.memory_space<hbm>>
    tpu.wait_dma2 semaphore(%arg33 : memref<!tpu.dma_semaphore, #tpu.memory_space<semaphore_mem>>) src(%arg15 : memref<120x128xf32, #tpu.memory_space<vmem>>) dst(%dma_wait3A_536 : memref<120x128xf32, #tpu.memory_space<hbm>>)
    %dma_start3A_537 = arith.constant 0 : i32
    %dma_start3A_538 = tpu.memref_slice %arg4[%multiple_of3A_198, %dma_start3A_537] : memref<100000x128xf32, #tpu.memory_space<hbm>> -> memref<120x128xf32, #tpu.memory_space<hbm>>
    %dma_start3A_539 = arith.constant 0 : i32
    %dma_start3A_540 = tpu.memref_slice %arg4[%multiple_of3A_198, %dma_start3A_539] : memref<100000x128xf32, #tpu.memory_space<hbm>> -> memref<120x128xf32, #tpu.memory_space<hbm>>
    tpu.enqueue_dma source(%dma_start3A_540 : memref<120x128xf32, #tpu.memory_space<hbm>>) target(%arg15 : memref<120x128xf32, #tpu.memory_space<vmem>>) target_semaphore(%arg25 : memref<!tpu.dma_semaphore, #tpu.memory_space<semaphore_mem>>)
    %dma_wait3A_541 = arith.constant 0 : i32
    %dma_wait3A_542 = tpu.memref_slice %arg4[%multiple_of3A_174, %dma_wait3A_541] : memref<100000x128xf32, #tpu.memory_space<hbm>> -> memref<120x128xf32, #tpu.memory_space<hbm>>
    %dma_wait3A_543 = arith.constant 0 : i32
    %dma_wait3A_544 = tpu.memref_slice %arg4[%multiple_of3A_174, %dma_wait3A_543] : memref<100000x128xf32, #tpu.memory_space<hbm>> -> memref<120x128xf32, #tpu.memory_space<hbm>>
    tpu.wait_dma2 semaphore(%arg22 : memref<!tpu.dma_semaphore, #tpu.memory_space<semaphore_mem>>) src(%dma_wait3A_544 : memref<120x128xf32, #tpu.memory_space<hbm>>) dst(%arg12 : memref<120x128xf32, #tpu.memory_space<vmem>>)
    %dma_start3A_545 = arith.constant 0 : i32
    %dma_start3A_546 = tpu.memref_slice %arg6[%multiple_of3A_174, %dma_start3A_545] : memref<100000x128xf32, #tpu.memory_space<hbm>> -> memref<120x128xf32, #tpu.memory_space<hbm>>
    %dma_start3A_547 = arith.constant 0 : i32
    %dma_start3A_548 = tpu.memref_slice %arg6[%multiple_of3A_174, %dma_start3A_547] : memref<100000x128xf32, #tpu.memory_space<hbm>> -> memref<120x128xf32, #tpu.memory_space<hbm>>
    tpu.enqueue_dma source(%arg12 : memref<120x128xf32, #tpu.memory_space<vmem>>) target(%dma_start3A_548 : memref<120x128xf32, #tpu.memory_space<hbm>>) target_semaphore(%arg30 : memref<!tpu.dma_semaphore, #tpu.memory_space<semaphore_mem>>)
    %dma_wait3A_549 = arith.constant 0 : i32
    %dma_wait3A_550 = tpu.memref_slice %arg6[%multiple_of3A_142, %dma_wait3A_549] : memref<100000x128xf32, #tpu.memory_space<hbm>> -> memref<120x128xf32, #tpu.memory_space<hbm>>
    %dma_wait3A_551 = arith.constant 0 : i32
    %dma_wait3A_552 = tpu.memref_slice %arg6[%multiple_of3A_142, %dma_wait3A_551] : memref<100000x128xf32, #tpu.memory_space<hbm>> -> memref<120x128xf32, #tpu.memory_space<hbm>>
    tpu.wait_dma2 semaphore(%arg26 : memref<!tpu.dma_semaphore, #tpu.memory_space<semaphore_mem>>) src(%arg8 : memref<120x128xf32, #tpu.memory_space<vmem>>) dst(%dma_wait3A_552 : memref<120x128xf32, #tpu.memory_space<hbm>>)
    %dma_start3A_553 = arith.constant 0 : i32
    %dma_start3A_554 = tpu.memref_slice %arg4[%multiple_of3A_206, %dma_start3A_553] : memref<100000x128xf32, #tpu.memory_space<hbm>> -> memref<120x128xf32, #tpu.memory_space<hbm>>
    %dma_start3A_555 = arith.constant 0 : i32
    %dma_start3A_556 = tpu.memref_slice %arg4[%multiple_of3A_206, %dma_start3A_555] : memref<100000x128xf32, #tpu.memory_space<hbm>> -> memref<120x128xf32, #tpu.memory_space<hbm>>
    tpu.enqueue_dma source(%dma_start3A_556 : memref<120x128xf32, #tpu.memory_space<hbm>>) target(%arg8 : memref<120x128xf32, #tpu.memory_space<vmem>>) target_semaphore(%arg18 : memref<!tpu.dma_semaphore, #tpu.memory_space<semaphore_mem>>)
    %dma_wait3A_557 = arith.constant 0 : i32
    %dma_wait3A_558 = tpu.memref_slice %arg4[%multiple_of3A_182, %dma_wait3A_557] : memref<100000x128xf32, #tpu.memory_space<hbm>> -> memref<120x128xf32, #tpu.memory_space<hbm>>
    %dma_wait3A_559 = arith.constant 0 : i32
    %dma_wait3A_560 = tpu.memref_slice %arg4[%multiple_of3A_182, %dma_wait3A_559] : memref<100000x128xf32, #tpu.memory_space<hbm>> -> memref<120x128xf32, #tpu.memory_space<hbm>>
    tpu.wait_dma2 semaphore(%arg23 : memref<!tpu.dma_semaphore, #tpu.memory_space<semaphore_mem>>) src(%dma_wait3A_560 : memref<120x128xf32, #tpu.memory_space<hbm>>) dst(%arg13 : memref<120x128xf32, #tpu.memory_space<vmem>>)
    %dma_start3A_561 = arith.constant 0 : i32
    %dma_start3A_562 = tpu.memref_slice %arg6[%multiple_of3A_182, %dma_start3A_561] : memref<100000x128xf32, #tpu.memory_space<hbm>> -> memref<120x128xf32, #tpu.memory_space<hbm>>
    %dma_start3A_563 = arith.constant 0 : i32
    %dma_start3A_564 = tpu.memref_slice %arg6[%multiple_of3A_182, %dma_start3A_563] : memref<100000x128xf32, #tpu.memory_space<hbm>> -> memref<120x128xf32, #tpu.memory_space<hbm>>
    tpu.enqueue_dma source(%arg13 : memref<120x128xf32, #tpu.memory_space<vmem>>) target(%dma_start3A_564 : memref<120x128xf32, #tpu.memory_space<hbm>>) target_semaphore(%arg31 : memref<!tpu.dma_semaphore, #tpu.memory_space<semaphore_mem>>)
    %dma_wait3A_565 = arith.constant 0 : i32
    %dma_wait3A_566 = tpu.memref_slice %arg6[%multiple_of3A_150, %dma_wait3A_565] : memref<100000x128xf32, #tpu.memory_space<hbm>> -> memref<120x128xf32, #tpu.memory_space<hbm>>
    %dma_wait3A_567 = arith.constant 0 : i32
    %dma_wait3A_568 = tpu.memref_slice %arg6[%multiple_of3A_150, %dma_wait3A_567] : memref<100000x128xf32, #tpu.memory_space<hbm>> -> memref<120x128xf32, #tpu.memory_space<hbm>>
    tpu.wait_dma2 semaphore(%arg27 : memref<!tpu.dma_semaphore, #tpu.memory_space<semaphore_mem>>) src(%arg9 : memref<120x128xf32, #tpu.memory_space<vmem>>) dst(%dma_wait3A_568 : memref<120x128xf32, #tpu.memory_space<hbm>>)
    %dma_start3A_569 = arith.constant 0 : i32
    %dma_start3A_570 = tpu.memref_slice %arg4[%multiple_of3A_214, %dma_start3A_569] : memref<100000x128xf32, #tpu.memory_space<hbm>> -> memref<120x128xf32, #tpu.memory_space<hbm>>
    %dma_start3A_571 = arith.constant 0 : i32
    %dma_start3A_572 = tpu.memref_slice %arg4[%multiple_of3A_214, %dma_start3A_571] : memref<100000x128xf32, #tpu.memory_space<hbm>> -> memref<120x128xf32, #tpu.memory_space<hbm>>
    tpu.enqueue_dma source(%dma_start3A_572 : memref<120x128xf32, #tpu.memory_space<hbm>>) target(%arg9 : memref<120x128xf32, #tpu.memory_space<vmem>>) target_semaphore(%arg19 : memref<!tpu.dma_semaphore, #tpu.memory_space<semaphore_mem>>)
    %dma_wait3A_573 = arith.constant 0 : i32
    %dma_wait3A_574 = tpu.memref_slice %arg4[%multiple_of3A_190, %dma_wait3A_573] : memref<100000x128xf32, #tpu.memory_space<hbm>> -> memref<120x128xf32, #tpu.memory_space<hbm>>
    %dma_wait3A_575 = arith.constant 0 : i32
    %dma_wait3A_576 = tpu.memref_slice %arg4[%multiple_of3A_190, %dma_wait3A_575] : memref<100000x128xf32, #tpu.memory_space<hbm>> -> memref<120x128xf32, #tpu.memory_space<hbm>>
    tpu.wait_dma2 semaphore(%arg24 : memref<!tpu.dma_semaphore, #tpu.memory_space<semaphore_mem>>) src(%dma_wait3A_576 : memref<120x128xf32, #tpu.memory_space<hbm>>) dst(%arg14 : memref<120x128xf32, #tpu.memory_space<vmem>>)
    %dma_start3A_577 = arith.constant 0 : i32
    %dma_start3A_578 = tpu.memref_slice %arg6[%multiple_of3A_190, %dma_start3A_577] : memref<100000x128xf32, #tpu.memory_space<hbm>> -> memref<120x128xf32, #tpu.memory_space<hbm>>
    %dma_start3A_579 = arith.constant 0 : i32
    %dma_start3A_580 = tpu.memref_slice %arg6[%multiple_of3A_190, %dma_start3A_579] : memref<100000x128xf32, #tpu.memory_space<hbm>> -> memref<120x128xf32, #tpu.memory_space<hbm>>
    tpu.enqueue_dma source(%arg14 : memref<120x128xf32, #tpu.memory_space<vmem>>) target(%dma_start3A_580 : memref<120x128xf32, #tpu.memory_space<hbm>>) target_semaphore(%arg32 : memref<!tpu.dma_semaphore, #tpu.memory_space<semaphore_mem>>)
    %dma_wait3A_581 = arith.constant 0 : i32
    %dma_wait3A_582 = tpu.memref_slice %arg6[%multiple_of3A_158, %dma_wait3A_581] : memref<100000x128xf32, #tpu.memory_space<hbm>> -> memref<120x128xf32, #tpu.memory_space<hbm>>
    %dma_wait3A_583 = arith.constant 0 : i32
    %dma_wait3A_584 = tpu.memref_slice %arg6[%multiple_of3A_158, %dma_wait3A_583] : memref<100000x128xf32, #tpu.memory_space<hbm>> -> memref<120x128xf32, #tpu.memory_space<hbm>>
    tpu.wait_dma2 semaphore(%arg28 : memref<!tpu.dma_semaphore, #tpu.memory_space<semaphore_mem>>) src(%arg10 : memref<120x128xf32, #tpu.memory_space<vmem>>) dst(%dma_wait3A_584 : memref<120x128xf32, #tpu.memory_space<hbm>>)
    %dma_start3A_585 = arith.constant 0 : i32
    %dma_start3A_586 = tpu.memref_slice %arg4[%multiple_of3A_222, %dma_start3A_585] : memref<100000x128xf32, #tpu.memory_space<hbm>> -> memref<120x128xf32, #tpu.memory_space<hbm>>
    %dma_start3A_587 = arith.constant 0 : i32
    %dma_start3A_588 = tpu.memref_slice %arg4[%multiple_of3A_222, %dma_start3A_587] : memref<100000x128xf32, #tpu.memory_space<hbm>> -> memref<120x128xf32, #tpu.memory_space<hbm>>
    tpu.enqueue_dma source(%dma_start3A_588 : memref<120x128xf32, #tpu.memory_space<hbm>>) target(%arg10 : memref<120x128xf32, #tpu.memory_space<vmem>>) target_semaphore(%arg20 : memref<!tpu.dma_semaphore, #tpu.memory_space<semaphore_mem>>)
    %dma_wait3A_589 = arith.constant 0 : i32
    %dma_wait3A_590 = tpu.memref_slice %arg4[%multiple_of3A_198, %dma_wait3A_589] : memref<100000x128xf32, #tpu.memory_space<hbm>> -> memref<120x128xf32, #tpu.memory_space<hbm>>
    %dma_wait3A_591 = arith.constant 0 : i32
    %dma_wait3A_592 = tpu.memref_slice %arg4[%multiple_of3A_198, %dma_wait3A_591] : memref<100000x128xf32, #tpu.memory_space<hbm>> -> memref<120x128xf32, #tpu.memory_space<hbm>>
    tpu.wait_dma2 semaphore(%arg25 : memref<!tpu.dma_semaphore, #tpu.memory_space<semaphore_mem>>) src(%dma_wait3A_592 : memref<120x128xf32, #tpu.memory_space<hbm>>) dst(%arg15 : memref<120x128xf32, #tpu.memory_space<vmem>>)
    %dma_start3A_593 = arith.constant 0 : i32
    %dma_start3A_594 = tpu.memref_slice %arg6[%multiple_of3A_198, %dma_start3A_593] : memref<100000x128xf32, #tpu.memory_space<hbm>> -> memref<120x128xf32, #tpu.memory_space<hbm>>
    %dma_start3A_595 = arith.constant 0 : i32
    %dma_start3A_596 = tpu.memref_slice %arg6[%multiple_of3A_198, %dma_start3A_595] : memref<100000x128xf32, #tpu.memory_space<hbm>> -> memref<120x128xf32, #tpu.memory_space<hbm>>
    tpu.enqueue_dma source(%arg15 : memref<120x128xf32, #tpu.memory_space<vmem>>) target(%dma_start3A_596 : memref<120x128xf32, #tpu.memory_space<hbm>>) target_semaphore(%arg33 : memref<!tpu.dma_semaphore, #tpu.memory_space<semaphore_mem>>)
    %dma_wait3A_597 = arith.constant 0 : i32
    %dma_wait3A_598 = tpu.memref_slice %arg4[%multiple_of3A_206, %dma_wait3A_597] : memref<100000x128xf32, #tpu.memory_space<hbm>> -> memref<120x128xf32, #tpu.memory_space<hbm>>
    %dma_wait3A_599 = arith.constant 0 : i32
    %dma_wait3A_600 = tpu.memref_slice %arg4[%multiple_of3A_206, %dma_wait3A_599] : memref<100000x128xf32, #tpu.memory_space<hbm>> -> memref<120x128xf32, #tpu.memory_space<hbm>>
    tpu.wait_dma2 semaphore(%arg18 : memref<!tpu.dma_semaphore, #tpu.memory_space<semaphore_mem>>) src(%dma_wait3A_600 : memref<120x128xf32, #tpu.memory_space<hbm>>) dst(%arg8 : memref<120x128xf32, #tpu.memory_space<vmem>>)
    %dma_start3A_601 = arith.constant 0 : i32
    %dma_start3A_602 = tpu.memref_slice %arg6[%multiple_of3A_206, %dma_start3A_601] : memref<100000x128xf32, #tpu.memory_space<hbm>> -> memref<120x128xf32, #tpu.memory_space<hbm>>
    %dma_start3A_603 = arith.constant 0 : i32
    %dma_start3A_604 = tpu.memref_slice %arg6[%multiple_of3A_206, %dma_start3A_603] : memref<100000x128xf32, #tpu.memory_space<hbm>> -> memref<120x128xf32, #tpu.memory_space<hbm>>
    tpu.enqueue_dma source(%arg8 : memref<120x128xf32, #tpu.memory_space<vmem>>) target(%dma_start3A_604 : memref<120x128xf32, #tpu.memory_space<hbm>>) target_semaphore(%arg26 : memref<!tpu.dma_semaphore, #tpu.memory_space<semaphore_mem>>)
    %dma_wait3A_605 = arith.constant 0 : i32
    %dma_wait3A_606 = tpu.memref_slice %arg4[%multiple_of3A_214, %dma_wait3A_605] : memref<100000x128xf32, #tpu.memory_space<hbm>> -> memref<120x128xf32, #tpu.memory_space<hbm>>
    %dma_wait3A_607 = arith.constant 0 : i32
    %dma_wait3A_608 = tpu.memref_slice %arg4[%multiple_of3A_214, %dma_wait3A_607] : memref<100000x128xf32, #tpu.memory_space<hbm>> -> memref<120x128xf32, #tpu.memory_space<hbm>>
    tpu.wait_dma2 semaphore(%arg19 : memref<!tpu.dma_semaphore, #tpu.memory_space<semaphore_mem>>) src(%dma_wait3A_608 : memref<120x128xf32, #tpu.memory_space<hbm>>) dst(%arg9 : memref<120x128xf32, #tpu.memory_space<vmem>>)
    %dma_start3A_609 = arith.constant 0 : i32
    %dma_start3A_610 = tpu.memref_slice %arg6[%multiple_of3A_214, %dma_start3A_609] : memref<100000x128xf32, #tpu.memory_space<hbm>> -> memref<120x128xf32, #tpu.memory_space<hbm>>
    %dma_start3A_611 = arith.constant 0 : i32
    %dma_start3A_612 = tpu.memref_slice %arg6[%multiple_of3A_214, %dma_start3A_611] : memref<100000x128xf32, #tpu.memory_space<hbm>> -> memref<120x128xf32, #tpu.memory_space<hbm>>
    tpu.enqueue_dma source(%arg9 : memref<120x128xf32, #tpu.memory_space<vmem>>) target(%dma_start3A_612 : memref<120x128xf32, #tpu.memory_space<hbm>>) target_semaphore(%arg27 : memref<!tpu.dma_semaphore, #tpu.memory_space<semaphore_mem>>)
    %dma_wait3A_613 = arith.constant 0 : i32
    %dma_wait3A_614 = tpu.memref_slice %arg4[%multiple_of3A_222, %dma_wait3A_613] : memref<100000x128xf32, #tpu.memory_space<hbm>> -> memref<120x128xf32, #tpu.memory_space<hbm>>
    %dma_wait3A_615 = arith.constant 0 : i32
    %dma_wait3A_616 = tpu.memref_slice %arg4[%multiple_of3A_222, %dma_wait3A_615] : memref<100000x128xf32, #tpu.memory_space<hbm>> -> memref<120x128xf32, #tpu.memory_space<hbm>>
    tpu.wait_dma2 semaphore(%arg20 : memref<!tpu.dma_semaphore, #tpu.memory_space<semaphore_mem>>) src(%dma_wait3A_616 : memref<120x128xf32, #tpu.memory_space<hbm>>) dst(%arg10 : memref<120x128xf32, #tpu.memory_space<vmem>>)
    %dma_start3A_617 = arith.constant 0 : i32
    %dma_start3A_618 = tpu.memref_slice %arg6[%multiple_of3A_222, %dma_start3A_617] : memref<100000x128xf32, #tpu.memory_space<hbm>> -> memref<120x128xf32, #tpu.memory_space<hbm>>
    %dma_start3A_619 = arith.constant 0 : i32
    %dma_start3A_620 = tpu.memref_slice %arg6[%multiple_of3A_222, %dma_start3A_619] : memref<100000x128xf32, #tpu.memory_space<hbm>> -> memref<120x128xf32, #tpu.memory_space<hbm>>
    tpu.enqueue_dma source(%arg10 : memref<120x128xf32, #tpu.memory_space<vmem>>) target(%dma_start3A_620 : memref<120x128xf32, #tpu.memory_space<hbm>>) target_semaphore(%arg28 : memref<!tpu.dma_semaphore, #tpu.memory_space<semaphore_mem>>)
    %dma_start3A_621 = tpu.memref_slice %arg3[%mul3A_2] : memref<16384xf32, #tpu.memory_space<hbm>> -> memref<512xf32, #tpu.memory_space<hbm>>
    %dma_start3A_622 = tpu.memref_slice %arg3[%mul3A_2] : memref<16384xf32, #tpu.memory_space<hbm>> -> memref<512xf32, #tpu.memory_space<hbm>>
    tpu.enqueue_dma source(%dma_start3A_622 : memref<512xf32, #tpu.memory_space<hbm>>) target(%arg16 : memref<512xf32, #tpu.memory_space<vmem>>) target_semaphore(%arg34 : memref<!tpu.dma_semaphore, #tpu.memory_space<semaphore_mem>>)
    %dma_start3A_623 = tpu.memref_slice %arg5[%multiple_of3A] : memref<100000xf32, #tpu.memory_space<hbm>> -> memref<2616xf32, #tpu.memory_space<hbm>>
    %dma_start3A_624 = tpu.memref_slice %arg5[%multiple_of3A] : memref<100000xf32, #tpu.memory_space<hbm>> -> memref<2616xf32, #tpu.memory_space<hbm>>
    tpu.enqueue_dma source(%dma_start3A_624 : memref<2616xf32, #tpu.memory_space<hbm>>) target(%arg17 : memref<2616xf32, #tpu.memory_space<vmem>>) target_semaphore(%arg35 : memref<!tpu.dma_semaphore, #tpu.memory_space<semaphore_mem>>)
    %dma_wait3A_625 = tpu.memref_slice %arg3[%mul3A_2] : memref<16384xf32, #tpu.memory_space<hbm>> -> memref<512xf32, #tpu.memory_space<hbm>>
    %dma_wait3A_626 = tpu.memref_slice %arg3[%mul3A_2] : memref<16384xf32, #tpu.memory_space<hbm>> -> memref<512xf32, #tpu.memory_space<hbm>>
    tpu.wait_dma2 semaphore(%arg34 : memref<!tpu.dma_semaphore, #tpu.memory_space<semaphore_mem>>) src(%dma_wait3A_626 : memref<512xf32, #tpu.memory_space<hbm>>) dst(%arg16 : memref<512xf32, #tpu.memory_space<vmem>>)
    %dma_start3A_627 = tpu.memref_slice %arg7[%mul3A_2] : memref<100000xf32, #tpu.memory_space<hbm>> -> memref<512xf32, #tpu.memory_space<hbm>>
    %dma_start3A_628 = tpu.memref_slice %arg7[%mul3A_2] : memref<100000xf32, #tpu.memory_space<hbm>> -> memref<512xf32, #tpu.memory_space<hbm>>
    tpu.enqueue_dma source(%arg16 : memref<512xf32, #tpu.memory_space<vmem>>) target(%dma_start3A_628 : memref<512xf32, #tpu.memory_space<hbm>>) target_semaphore(%arg34 : memref<!tpu.dma_semaphore, #tpu.memory_space<semaphore_mem>>)
    %dma_wait3A_629 = tpu.memref_slice %arg5[%multiple_of3A] : memref<100000xf32, #tpu.memory_space<hbm>> -> memref<2616xf32, #tpu.memory_space<hbm>>
    %dma_wait3A_630 = tpu.memref_slice %arg5[%multiple_of3A] : memref<100000xf32, #tpu.memory_space<hbm>> -> memref<2616xf32, #tpu.memory_space<hbm>>
    tpu.wait_dma2 semaphore(%arg35 : memref<!tpu.dma_semaphore, #tpu.memory_space<semaphore_mem>>) src(%dma_wait3A_630 : memref<2616xf32, #tpu.memory_space<hbm>>) dst(%arg17 : memref<2616xf32, #tpu.memory_space<vmem>>)
    %dma_start3A_631 = tpu.memref_slice %arg7[%multiple_of3A] : memref<100000xf32, #tpu.memory_space<hbm>> -> memref<2616xf32, #tpu.memory_space<hbm>>
    %dma_start3A_632 = tpu.memref_slice %arg7[%multiple_of3A] : memref<100000xf32, #tpu.memory_space<hbm>> -> memref<2616xf32, #tpu.memory_space<hbm>>
    tpu.enqueue_dma source(%arg17 : memref<2616xf32, #tpu.memory_space<vmem>>) target(%dma_start3A_632 : memref<2616xf32, #tpu.memory_space<hbm>>) target_semaphore(%arg35 : memref<!tpu.dma_semaphore, #tpu.memory_space<semaphore_mem>>)
    %dma_wait3A_633 = tpu.memref_slice %arg7[%mul3A_2] : memref<100000xf32, #tpu.memory_space<hbm>> -> memref<512xf32, #tpu.memory_space<hbm>>
    %dma_wait3A_634 = tpu.memref_slice %arg7[%mul3A_2] : memref<100000xf32, #tpu.memory_space<hbm>> -> memref<512xf32, #tpu.memory_space<hbm>>
    tpu.wait_dma2 semaphore(%arg34 : memref<!tpu.dma_semaphore, #tpu.memory_space<semaphore_mem>>) src(%arg16 : memref<512xf32, #tpu.memory_space<vmem>>) dst(%dma_wait3A_634 : memref<512xf32, #tpu.memory_space<hbm>>)
    %dma_wait3A_635 = tpu.memref_slice %arg7[%multiple_of3A] : memref<100000xf32, #tpu.memory_space<hbm>> -> memref<2616xf32, #tpu.memory_space<hbm>>
    %dma_wait3A_636 = tpu.memref_slice %arg7[%multiple_of3A] : memref<100000xf32, #tpu.memory_space<hbm>> -> memref<2616xf32, #tpu.memory_space<hbm>>
    tpu.wait_dma2 semaphore(%arg35 : memref<!tpu.dma_semaphore, #tpu.memory_space<semaphore_mem>>) src(%arg17 : memref<2616xf32, #tpu.memory_space<vmem>>) dst(%dma_wait3A_636 : memref<2616xf32, #tpu.memory_space<hbm>>)
    %dma_wait3A_637 = arith.constant 0 : i32
    %dma_wait3A_638 = tpu.memref_slice %arg6[%multiple_of3A_166, %dma_wait3A_637] : memref<100000x128xf32, #tpu.memory_space<hbm>> -> memref<120x128xf32, #tpu.memory_space<hbm>>
    %dma_wait3A_639 = arith.constant 0 : i32
    %dma_wait3A_640 = tpu.memref_slice %arg6[%multiple_of3A_166, %dma_wait3A_639] : memref<100000x128xf32, #tpu.memory_space<hbm>> -> memref<120x128xf32, #tpu.memory_space<hbm>>
    tpu.wait_dma2 semaphore(%arg29 : memref<!tpu.dma_semaphore, #tpu.memory_space<semaphore_mem>>) src(%arg11 : memref<120x128xf32, #tpu.memory_space<vmem>>) dst(%dma_wait3A_640 : memref<120x128xf32, #tpu.memory_space<hbm>>)
    %dma_wait3A_641 = arith.constant 0 : i32
    %dma_wait3A_642 = tpu.memref_slice %arg6[%multiple_of3A_174, %dma_wait3A_641] : memref<100000x128xf32, #tpu.memory_space<hbm>> -> memref<120x128xf32, #tpu.memory_space<hbm>>
    %dma_wait3A_643 = arith.constant 0 : i32
    %dma_wait3A_644 = tpu.memref_slice %arg6[%multiple_of3A_174, %dma_wait3A_643] : memref<100000x128xf32, #tpu.memory_space<hbm>> -> memref<120x128xf32, #tpu.memory_space<hbm>>
    tpu.wait_dma2 semaphore(%arg30 : memref<!tpu.dma_semaphore, #tpu.memory_space<semaphore_mem>>) src(%arg12 : memref<120x128xf32, #tpu.memory_space<vmem>>) dst(%dma_wait3A_644 : memref<120x128xf32, #tpu.memory_space<hbm>>)
    %dma_wait3A_645 = arith.constant 0 : i32
    %dma_wait3A_646 = tpu.memref_slice %arg6[%multiple_of3A_182, %dma_wait3A_645] : memref<100000x128xf32, #tpu.memory_space<hbm>> -> memref<120x128xf32, #tpu.memory_space<hbm>>
    %dma_wait3A_647 = arith.constant 0 : i32
    %dma_wait3A_648 = tpu.memref_slice %arg6[%multiple_of3A_182, %dma_wait3A_647] : memref<100000x128xf32, #tpu.memory_space<hbm>> -> memref<120x128xf32, #tpu.memory_space<hbm>>
    tpu.wait_dma2 semaphore(%arg31 : memref<!tpu.dma_semaphore, #tpu.memory_space<semaphore_mem>>) src(%arg13 : memref<120x128xf32, #tpu.memory_space<vmem>>) dst(%dma_wait3A_648 : memref<120x128xf32, #tpu.memory_space<hbm>>)
    %dma_wait3A_649 = arith.constant 0 : i32
    %dma_wait3A_650 = tpu.memref_slice %arg6[%multiple_of3A_190, %dma_wait3A_649] : memref<100000x128xf32, #tpu.memory_space<hbm>> -> memref<120x128xf32, #tpu.memory_space<hbm>>
    %dma_wait3A_651 = arith.constant 0 : i32
    %dma_wait3A_652 = tpu.memref_slice %arg6[%multiple_of3A_190, %dma_wait3A_651] : memref<100000x128xf32, #tpu.memory_space<hbm>> -> memref<120x128xf32, #tpu.memory_space<hbm>>
    tpu.wait_dma2 semaphore(%arg32 : memref<!tpu.dma_semaphore, #tpu.memory_space<semaphore_mem>>) src(%arg14 : memref<120x128xf32, #tpu.memory_space<vmem>>) dst(%dma_wait3A_652 : memref<120x128xf32, #tpu.memory_space<hbm>>)
    %dma_wait3A_653 = arith.constant 0 : i32
    %dma_wait3A_654 = tpu.memref_slice %arg6[%multiple_of3A_198, %dma_wait3A_653] : memref<100000x128xf32, #tpu.memory_space<hbm>> -> memref<120x128xf32, #tpu.memory_space<hbm>>
    %dma_wait3A_655 = arith.constant 0 : i32
    %dma_wait3A_656 = tpu.memref_slice %arg6[%multiple_of3A_198, %dma_wait3A_655] : memref<100000x128xf32, #tpu.memory_space<hbm>> -> memref<120x128xf32, #tpu.memory_space<hbm>>
    tpu.wait_dma2 semaphore(%arg33 : memref<!tpu.dma_semaphore, #tpu.memory_space<semaphore_mem>>) src(%arg15 : memref<120x128xf32, #tpu.memory_space<vmem>>) dst(%dma_wait3A_656 : memref<120x128xf32, #tpu.memory_space<hbm>>)
    %dma_wait3A_657 = arith.constant 0 : i32
    %dma_wait3A_658 = tpu.memref_slice %arg6[%multiple_of3A_206, %dma_wait3A_657] : memref<100000x128xf32, #tpu.memory_space<hbm>> -> memref<120x128xf32, #tpu.memory_space<hbm>>
    %dma_wait3A_659 = arith.constant 0 : i32
    %dma_wait3A_660 = tpu.memref_slice %arg6[%multiple_of3A_206, %dma_wait3A_659] : memref<100000x128xf32, #tpu.memory_space<hbm>> -> memref<120x128xf32, #tpu.memory_space<hbm>>
    tpu.wait_dma2 semaphore(%arg26 : memref<!tpu.dma_semaphore, #tpu.memory_space<semaphore_mem>>) src(%arg8 : memref<120x128xf32, #tpu.memory_space<vmem>>) dst(%dma_wait3A_660 : memref<120x128xf32, #tpu.memory_space<hbm>>)
    %dma_wait3A_661 = arith.constant 0 : i32
    %dma_wait3A_662 = tpu.memref_slice %arg6[%multiple_of3A_214, %dma_wait3A_661] : memref<100000x128xf32, #tpu.memory_space<hbm>> -> memref<120x128xf32, #tpu.memory_space<hbm>>
    %dma_wait3A_663 = arith.constant 0 : i32
    %dma_wait3A_664 = tpu.memref_slice %arg6[%multiple_of3A_214, %dma_wait3A_663] : memref<100000x128xf32, #tpu.memory_space<hbm>> -> memref<120x128xf32, #tpu.memory_space<hbm>>
    tpu.wait_dma2 semaphore(%arg27 : memref<!tpu.dma_semaphore, #tpu.memory_space<semaphore_mem>>) src(%arg9 : memref<120x128xf32, #tpu.memory_space<vmem>>) dst(%dma_wait3A_664 : memref<120x128xf32, #tpu.memory_space<hbm>>)
    %dma_wait3A_665 = arith.constant 0 : i32
    %dma_wait3A_666 = tpu.memref_slice %arg6[%multiple_of3A_222, %dma_wait3A_665] : memref<100000x128xf32, #tpu.memory_space<hbm>> -> memref<120x128xf32, #tpu.memory_space<hbm>>
    %dma_wait3A_667 = arith.constant 0 : i32
    %dma_wait3A_668 = tpu.memref_slice %arg6[%multiple_of3A_222, %dma_wait3A_667] : memref<100000x128xf32, #tpu.memory_space<hbm>> -> memref<120x128xf32, #tpu.memory_space<hbm>>
    tpu.wait_dma2 semaphore(%arg28 : memref<!tpu.dma_semaphore, #tpu.memory_space<semaphore_mem>>) src(%arg10 : memref<120x128xf32, #tpu.memory_space<vmem>>) dst(%dma_wait3A_668 : memref<120x128xf32, #tpu.memory_space<hbm>>)
    return
  }
}

</mosaic_0001>

<sc_bundles>
// kernel: kernel.3.cloned.1.call-start
scs
__scs_entry_jumppad:
0x0: {  	(pc) =	sbr.rel $0x88, $3  }
0x1: {  	(tag) =	ssettag $0x0;
	lr =	simm.s32 $0x1  }
0x2: {  	[smem:$0x3F9D] =	sst lr;
	_ =	strace $0xD0000000  }
0x3: {  	_ = 	snop  }
0x4: {  	_ = 	snop  }
0x5: {  	_ = 	snop  }
0x6: {  	_ = 	snop  }
0x7: {  	_ = 	snop  }
__scs_overlays_trampoline_lowered:
0x8: {  	[smem:$0x3FAC] =	sst s0  }
0x9: {  	[smem:$0x3FAD] =	sst s1  }
0xa: {  	[smem:$0x3FAE] =	sst s2  }
0xb: {  	[smem:$0x3FAF] =	sst s3  }
0xc: {  	[smem:$0x3FB0] =	sst s4  }
0xd: {  	[smem:$0x3FB1] =	sst s5  }
0xe: {  	[smem:$0x3FB2] =	sst s6  }
0xf: {  	[smem:$0x3FB3] =	sst s7  }
0x10: {  	[smem:$0x3FB4] =	sst s8  }
0x11: {  	[smem:$0x3FB5] =	sst s9;
	s0 =	simm.s32 @!p0 $0x0  }
0x12: {  	s1 =	sld [smem:$0x3F9B];
	s0 =	simm.s32 @p0 $0x1  }
0x13: {  	[smem:$0x3FB6] =	sst s0;
	s0 =	simm.s32 @!p1 $0x0  }
0x14: {  	s2 =	sld [smem:$0x3F9A];
	s0 =	simm.s32 @p1 $0x1  }
0x15: {  	[smem:$0x3FB7] =	sst s0;
	s0 =	simm.s32 @!p2 $0x0  }
0x16: {  	s3 =	sld [smem:$0x3FDB];
	s0 =	simm.s32 @p2 $0x1  }
0x17: {  	s4 =	simm.s32 $0x1BF5;
	[smem:$0x3FB9] =	sst s0  }
0x18: {  	s0 =	sld [smem:$0x3F9C];
	_ =	swait.ge [sflag:s4], $0x0  }
0x19: {  	s7 =	sld [smem:$0x3F9D]  }
0x1a: {  	s8 =	sadd.s32 $0xFFFFE003, lr  }
0x1b: {  	s9 =	sadd.s32 $0xFFFFFEF7, lr;
	s5 =	simm.s32 $0xFFFFFFFF;
	p2 =	slt.u32 s8, $0xFFFFF086  }
0x1c: {  	p1 =	slt.u32 s9, $0xF7A;
	s5 =	simm.s32 @!p2 $0x0  }
0x1d: {  	s5 =	simm.s32 @p1 $0x1;
	p0 =	seq.s32 s7, s2  }
0x1e: {  	s7 =	smul.u32 @!p0 $0xF7A, s2;
	p2 =	seq.s32 @!p0 s5, $0x0  }
0x1f: {  	s9 =	smul.u32 $0xF7A, s1;
	s8 =	simm.s32 @!p0 $0x1BF5;
	p2 =	por !p2, p0  }
0x20: {  	[sflag:s8] =	ssyncset.s32 @!p0 $0xFFFFF086;
	s6 =	sadd.s32 @!p0 s3, s7;
	s7 =	simm.s32 @!p0 $0x108  }
0x21: {  	s3 =	sadd.s32 s3, s9;
	s6 =	sadd.s32 @!p0 $0x88, s6;
	s7 =	simm.s32 @p2 $0x1082  }
0x22: {  	[simem:s7], [sflag:s8] =	dma.local @!p0 [hbm:s6], $0xF7A  }
0x23: {  	s9 =	sor.u32 $0xD0000000, s2;
	s6 =	simm.s32 $0x108;
	_ =	swait.ge @!p0 [sflag:s8], $0x0  }
0x24: {  	s3 =	sadd.s32 $0x88, s3;
	s6 =	simm.s32 @!p1 $0x1082;
	[sflag:s4] =	ssyncset.s32 $0xFFFFF086  }
0x25: {  	[simem:s6], [sflag:s4] =	dma.local [hbm:s3], $0xF7A  }
0x26: {  	[smem:$0x3F9D] =	sst s1;
	(tag) =	ssettag s2;
	_ =	strace s9  }
0x27: {  	s1 =	sld [smem:$0x3FAD]  }
0x28: {  	s2 =	sld [smem:$0x3FAE]  }
0x29: {  	s4 =	sld [smem:$0x3FB0]  }
0x2a: {  	p0 =	seq.s32 s5, $0x0;
	s5 =	sld [smem:$0x3FB1]  }
0x2b: {  	s6 =	sld [smem:$0x3FB2]  }
0x2c: {  	s7 =	sld [smem:$0x3FB3]  }
0x2d: {  	s3 =	simm.s32 $0x108;
	s8 =	sld [smem:$0x3FB4]  }
0x2e: {  	s3 =	simm.s32 @!p0 $0x1082;
	s9 =	sld [smem:$0x3FB5]  }
0x2f: {  	lr =	sadd.s32 s0, s3;
	s0 =	sld [smem:$0x3FAC]  }
0x30: {  	s3 =	sld [smem:$0x3FAF]  }
0x31: {  	[smem:$0x3FB8] =	sst s10  }
0x32: {  	s10 =	sld [smem:$0x3FB6];
	_ =	sdelay $0x3  }
0x33: {  	p0 =	seq.s32 s10, $0x1;
	s10 =	sld [smem:$0x3FB8];
	_ =	sdelay $0x3  }
0x34: {  	[smem:$0x3FB8] =	sst s10  }
0x35: {  	s10 =	sld [smem:$0x3FB7];
	_ =	sdelay $0x3  }
0x36: {  	p1 =	seq.s32 s10, $0x1;
	s10 =	sld [smem:$0x3FB8];
	_ =	sdelay $0x3  }
0x37: {  	[smem:$0x3FB8] =	sst s10  }
0x38: {  	s10 =	sld [smem:$0x3FB9]  }
0x39: {  	_ = 	snop;
	(pc) =	sbr.ind lr, $3  }
0x3a: {  	_ = 	snop  }
0x3b: {  	_ = 	snop  }
0x3c: {  	p2 =	seq.s32 s10, $0x1;
	s10 =	sld [smem:$0x3FB8]  }
0x3d: {  	_ =	shalt  }
0x3e: {  	_ =	shalt  }
0x3f: {  	_ =	shalt  }
0x40: {  	_ =	shalt  }
0x41: {  	_ =	shalt  }
0x42: {  	_ =	shalt  }
0x43: {  	_ =	shalt  }
0x44: {  	_ =	shalt  }
0x45: {  	_ =	shalt  }
0x46: {  	_ =	shalt  }
0x47: {  	_ =	shalt  }
0x48: {  	_ =	shalt  }
0x49: {  	_ =	shalt  }
0x4a: {  	_ =	shalt  }
0x4b: {  	_ =	shalt  }
0x4c: {  	_ =	shalt  }
0x4d: {  	_ =	shalt  }
0x4e: {  	_ =	shalt  }
0x4f: {  	_ =	shalt  }
0x50: {  	_ =	shalt  }
0x51: {  	_ =	shalt  }
0x52: {  	_ =	shalt  }
0x53: {  	_ =	shalt  }
0x54: {  	_ =	shalt  }
0x55: {  	_ =	shalt  }
0x56: {  	_ =	shalt  }
0x57: {  	_ =	shalt  }
0x58: {  	_ =	shalt  }
0x59: {  	_ =	shalt  }
0x5a: {  	_ =	shalt  }
0x5b: {  	_ =	shalt  }
0x5c: {  	_ =	shalt  }
0x5d: {  	_ =	shalt  }
0x5e: {  	_ =	shalt  }
0x5f: {  	_ =	shalt  }
0x60: {  	_ =	shalt  }
0x61: {  	_ =	shalt  }
0x62: {  	_ =	shalt  }
0x63: {  	_ =	shalt  }
0x64: {  	_ =	shalt  }
0x65: {  	_ =	shalt  }
0x66: {  	_ =	shalt  }
0x67: {  	_ =	shalt  }
0x68: {  	_ =	shalt  }
0x69: {  	_ =	shalt  }
0x6a: {  	_ =	shalt  }
0x6b: {  	_ =	shalt  }
0x6c: {  	_ =	shalt  }
0x6d: {  	_ =	shalt  }
0x6e: {  	_ =	shalt  }
0x6f: {  	_ =	shalt  }
0x70: {  	_ =	shalt  }
0x71: {  	_ =	shalt  }
0x72: {  	_ =	shalt  }
0x73: {  	_ =	shalt  }
0x74: {  	_ =	shalt  }
0x75: {  	_ =	shalt  }
0x76: {  	_ =	shalt  }
0x77: {  	_ =	shalt  }
0x78: {  	_ =	shalt  }
0x79: {  	_ =	shalt  }
0x7a: {  	_ =	shalt  }
0x7b: {  	_ =	shalt  }
0x7c: {  	_ =	shalt  }
0x7d: {  	_ =	shalt  }
0x7e: {  	_ =	shalt  }
0x7f: {  	_ =	shalt  }
0x80: {  	_ =	shalt  }
0x81: {  	_ =	shalt  }
0x82: {  	_ =	shalt  }
0x83: {  	_ =	shalt  }
0x84: {  	_ =	shalt  }
0x85: {  	_ =	shalt  }
0x86: {  	_ =	shalt  }
0x87: {  	_ =	shalt  }
.Lfunc_end0:
.L_simem_size_0:
called_computation_lowered:
.L_overlay_start_0:
0x88: {  	s2 =	sld [smem:$0x3FD9]  }
0x89: {  	s3 =	sld [smem:$0x3FFE];
	_ =	sdelay $0x1  }
0x8a: {  	s1 =	srdreg.scid  }
0x8b: {  	s0 =	sand.u32 $0x1, s1  }
0x8c: {  	s15 =	sshll.u32 s0, $0xA;
	s2 =	sadd.s32 s3, s2  }
0x8d: {  	s2 =	sadd.s32 s2, s15  }
0x8e: {  	[smem:$0x3FC4] =	sst s2  }
0x8f: {  	_ = 	snop  }
0x90: {  	s2 =	sld [smem:$0x3FC9]  }
0x91: {  	s16 =	sld [smem:$0x3FD0]  }
0x92: {  	s4 =	sld [smem:$0x3FC8]  }
0x93: {  	s5 =	sld [smem:$0x3FC7]  }
0x94: {  	s7 =	simm.s32 $0xA;
	s8 =	simm.s32 $0x10;
	s6 =	sld [smem:$0x3FC6]  }
0x95: {  	[smem:s8], [sflag:s7] =	dma.local [hbm:s16], $0x1  }
0x96: {  	_ =	swait.eq [sflag:s7], $0x1  }
0x97: {  	[sflag:s7] =	ssyncset.done $0x0  }
0x98: {  	s17 =	sld [smem:$0x10];
	[sflag:s7] =	ssyncadd.s32 $0xFFFFFFFF  }
0x99: {  	s18 =	sld [smem:$0x11];
	(tm) =	ssettm $0x1  }
0x9a: {  	s19 =	sld [smem:$0x3FFB];
	_ =	sdelay $0x3  }
0x9b: {  	_ =	strace s19  }
0x9c: {  	s8 =	sld [smem:$0x3FFC];
	_ =	sdelay $0x3  }
0x9d: {  	_ =	strace s8  }
0x9e: {  	s8 =	sld [smem:$0x3FFD];
	_ =	sdelay $0x3  }
0x9f: {  	_ =	strace s8  }
0xa0: {  	_ =	strace $0x8FFFFFFF  }
0xa1: {  	s20 =	sld [smem:$0x3FDB];
	_ =	sdelay $0x1  }
0xa2: {  	s9 =	simm.s32 $_scs_section_size  }
0xa3: {  	s10 =	simm.s32 $_size__tile_overlayer_lowered;
	s11 =	simm.s32 $_tile_overlayer_lowered  }
0xa4: {  	s23 =	simm.s32 $0x1BFF;
	s22 =	sshll.u32 s11, $0x1;
	s8 =	sadd.s32 s9, s20  }
0xa5: {  	s12 =	simm.s32 $0x0;
	s21 =	sshll.u32 s10, $0x1;
	s10 =	sadd.s32 s22, s8  }
0xa6: {  	[timem:s12], [sflag:s23] =	dma.local [hbm:s10], s21  }
0xa7: {  	_ =	swait.ge [sflag:s23], s21  }
0xa8: {  	s9 =	ssub.s32 $0x0, s21;
	[sflag:s23] =	ssyncset.done $0x0  }
0xa9: {  	[sflag:s23] =	ssyncadd.s32 s9;
	_ =	sdelay $0x1  }
0xaa: {  	s24 =	simm.s32 $0x1B8B  }
0xab: {  	_ =	swait.ge [sflag:s24], $0x1  }
0xac: {  	[sflag:s24] =	ssyncset.done $0x0  }
0xad: {  	s25 =	simm.s32 $0x1B8E;
	[sflag:s24] =	ssyncadd.s32 $0xFFFFFFFF  }
0xae: {  	s26 =	simm.s32 $execute0_lowered;
	[smem:$0x3FD2] =	sst s25  }
0xaf: {  	s9 =	sshll.u32 s26, $0x1;
	_ =	strace $0x80000046;
	[dreg:$0x1] =	wrdreg $0xFFFFFFFF  }
0xb0: {  	s28 =	simm.s32 $_size_execute0_lowered;
	s8 =	sadd.s32 s8, s9;
	[dreg:$0x0] =	wrdreg $0x0  }
0xb1: {  	s9 =	sshll.u32 s28, $0x1;
	[dreg:$0x2] =	wrdreg s8  }
0xb2: {  	[dreg:$0x3] =	wrdreg s9  }
0xb3: {  	[dreg:$0x4] =	wrdreg $0xC0  }
0xb4: {  	_ =	task [dreg:s12], $0x5FFFF  }
0xb5: {  	[dreg:$0x1] =	wrdreg $0xFFFFFFFF  }
0xb6: {  	[dreg:$0x0] =	wrdreg $0x60  }
0xb7: {  	[dreg:$0x2] =	wrdreg s2  }
0xb8: {  	[dreg:$0x3] =	wrdreg s4  }
0xb9: {  	[dreg:$0x4] =	wrdreg s5  }
0xba: {  	[dreg:$0x5] =	wrdreg s6  }
0xbb: {  	[dreg:$0x6] =	wrdreg s17  }
0xbc: {  	[dreg:$0x7] =	wrdreg s18  }
0xbd: {  	[dreg:$0x8] =	wrdreg $0x9  }
0xbe: {  	_ =	task.clear_ibuf [dreg:s12], $0x9FFFF;
	_ =	strace $0x90000046  }
0xbf: {  	s29 =	simm.s32 $0x9;
	_ =	strace $0x80000048  }
0xc0: {  	_ =	swait.ge [sflag:s29], $0x1  }
0xc1: {  	[sflag:s29] =	ssyncadd.s32 $0xFFFFFFFF  }
0xc2: {  	_ =	strace $0x90000048  }
0xc3: {  	_ =	sfence  }
0xc4: {  	s30 =	sld [smem:$0x0];
	_ =	sdelay $0x2  }
0xc5: {  	s31 =	sshll.u32 s1, $0xD;
	s1 =	sshrl.u32 s1, $0x2  }
0xc6: {  	s3 =	sand.u32 $0x4000, s31;
	s1 =	sadd.s32 s1, s30  }
0xc7: {  	s0 =	sor.u32 s3, s0;
	s1 =	sshll.u32 s1, $0x11  }
0xc8: {  	s0 =	sor.u32 s1, s0  }
0xc9: {  	s0 =	sadd.s32 $0x8F2B, s0  }
0xca: {  	[sflag:s0] =	ssyncadd.remote.s32 $0x1  }
0xcb: {  	_ =	sfence.sel $0xFFFF  }
0xcc: {  	[dreg:$0x0] =	wrdreg $0xFFFFFFFF;
	(pc) =	sbr.abs _section_cstart, $3  }
0xcd: {  	[dreg:$0x1] =	wrdreg $0xFFFFFFFF  }
0xce: {  	_ =	task.clear_ibuf [dreg:s12], $0x2FFFF;
	_ =	strace $0x9FFFFFFF  }
0xcf: {  	(tm) =	ssettm $0x7FFFFFFF  }
tec
execute0_lowered:
.L_overlay_start_1:
0x0: {  	(tag) =	ssettag $0x1  }
0x1: {  	s0 =	rddreg [dreg:$0x0]  }
0x2: {  	s4 =	rddreg [dreg:$0x1]  }
0x3: {  	s7 =	rddreg [dreg:$0x2]  }
0x4: {  	s3 =	rddreg [dreg:$0x3]  }
0x5: {  	s2 =	srdreg.scid;
	s8 =	stileid.u32  }
0x6: {  	s6 =	rddreg [dreg:$0x4];
	s5 =	sand.u32 $0x1, s2;
	s8 =	sshll.u32 s8, $0x1  }
0x7: {  	s1 =	rddreg [dreg:$0x5];
	s2 =	simm.s32 $0x0;
	s8 =	sor.u32 s5, s8  }
0x8: {  	[smem:$0x7FF] =	sst s2;
	s10 =	sshll.u32 s8, $0x9  }
0x9: {  	_ =	strace $0x80000047;
	s15 =	sshll.u32 s8, $0xD;
	s11 =	sor.u32 $0x188, s10  }
0xa: {  	s12 =	sor.u32 $0x78, s10;
	s13 =	sor.u32 $0xF0, s10;
	s14 =	sor.u32 $0x168, s10  }
0xb: {  	s10 =	sor.u32 $0x1E0, s10;
	s16 =	sadd.s32 s0, s15;
	s23 =	sadd.s32 s6, s15  }
0xc: {  	s12 =	smin.u32 s12, s11;
	s13 =	smin.u32 s13, s11;
	s14 =	smin.u32 s14, s11  }
0xd: {  	[dreg:$0x7] =	wrdreg s16;
	s10 =	smin.u32 s10, s11;
	s12 =	sshll.u32 s12, $0x4  }
0xe: {  	[dreg:$0xb] =	wrdreg s23;
	s13 =	sshll.u32 s13, $0x4;
	s20 =	sadd.s32 s0, s12  }
0xf: {  	s14 =	sshll.u32 s14, $0x4;
	s21 =	sadd.s32 s0, s13;
	[dreg:$0x8] =	wrdreg s20  }
0x10: {  	s24 =	sshll.u32 s10, $0x4;
	s22 =	sadd.s32 s0, s14;
	[dreg:$0x9] =	wrdreg s21  }
0x11: {  	s0 =	sadd.s32 s0, s24;
	[dreg:$0xa] =	wrdreg s22  }
0x12: {  	s9 =	smul.u32 $0xA38, s8;
	s25 =	sadd.s32 s6, s12;
	[dreg:$0xc] =	wrdreg s0  }
0x13: {  	s11 =	sadd.s32 s6, s13;
	[dreg:$0xd] =	wrdreg s25  }
0x14: {  	s9 =	smin.u32 s9, $0x13C68;
	s16 =	sadd.s32 s6, s14;
	[dreg:$0xf] =	wrdreg s11  }
0x15: {  	s9 =	sadd.s32 $0x4000, s9;
	s19 =	sadd.s32 s6, s24;
	[dreg:$0x11] =	wrdreg s16  }
0x16: {  	s10 =	sshll.u32 s9, $0x4;
	[dreg:$0x13] =	wrdreg s19  }
0x17: {  	s26 =	sadd.s32 s7, s10;
	s0 =	rddreg [dreg:$0x7]  }
0x18: {  	s12 =	sadd.s32 $0x780, s10;
	s22 =	sadd.s32 s6, s10;
	[dreg:$0xe] =	wrdreg s26  }
0x19: {  	s17 =	sadd.s32 $0xF00, s10;
	s13 =	sadd.s32 s7, s12;
	[dreg:$0x15] =	wrdreg s22  }
0x1a: {  	s20 =	sadd.s32 $0x1680, s10;
	s18 =	sadd.s32 s7, s17;
	[dreg:$0x10] =	wrdreg s13  }
0x1b: {  	s23 =	sadd.s32 $0x1E00, s10;
	s21 =	sadd.s32 s7, s20;
	[dreg:$0x12] =	wrdreg s18  }
0x1c: {  	s24 =	sadd.s32 s7, s23;
	[dreg:$0x14] =	wrdreg s21  }
0x1d: {  	s25 =	sadd.s32 s6, s12;
	[dreg:$0x16] =	wrdreg s24  }
0x1e: {  	s16 =	sadd.s32 s6, s17;
	[dreg:$0x17] =	wrdreg s25  }
0x1f: {  	s19 =	sadd.s32 s6, s20;
	[dreg:$0x19] =	wrdreg s16  }
0x20: {  	s26 =	sadd.s32 $0x2580, s10;
	s22 =	sadd.s32 s6, s23;
	[dreg:$0x1b] =	wrdreg s19  }
0x21: {  	s17 =	sadd.s32 $0x2D00, s10;
	s15 =	sadd.s32 s7, s26;
	[dreg:$0x1d] =	wrdreg s22  }
0x22: {  	s20 =	sadd.s32 $0x3480, s10;
	s18 =	sadd.s32 s7, s17;
	[dreg:$0x18] =	wrdreg s15  }
0x23: {  	s23 =	sadd.s32 $0x3C00, s10;
	s21 =	sadd.s32 s7, s20;
	[dreg:$0x1a] =	wrdreg s18  }
0x24: {  	s24 =	sadd.s32 s7, s23;
	[dreg:$0x1c] =	wrdreg s21  }
0x25: {  	s25 =	sadd.s32 s6, s26;
	[dreg:$0x1e] =	wrdreg s24  }
0x26: {  	s16 =	sadd.s32 s6, s17;
	[dreg:$0x1f] =	wrdreg s25  }
0x27: {  	s19 =	sadd.s32 s6, s20;
	[smem:$0x7DF] =	sst s16  }
0x28: {  	s26 =	sadd.s32 $0x4380, s10;
	s22 =	sadd.s32 s6, s23;
	[smem:$0x7E1] =	sst s19  }
0x29: {  	s17 =	sadd.s32 $0x4B00, s10;
	s15 =	sadd.s32 s7, s26;
	[smem:$0x7E3] =	sst s22  }
0x2a: {  	s20 =	sadd.s32 $0x5280, s10;
	s18 =	sadd.s32 s7, s17;
	[smem:$0x7DE] =	sst s15  }
0x2b: {  	s23 =	sadd.s32 $0x5A00, s10;
	s21 =	sadd.s32 s7, s20;
	[smem:$0x7E0] =	sst s18  }
0x2c: {  	s24 =	sadd.s32 s7, s23;
	[smem:$0x7E2] =	sst s21  }
0x2d: {  	s25 =	sadd.s32 s6, s26;
	[smem:$0x7E4] =	sst s24  }
0x2e: {  	s29 =	simm.s32 $0xB400;
	s16 =	sadd.s32 s6, s17;
	[smem:$0x7E5] =	sst s25  }
0x2f: {  	s31 =	simm.s32 $0x4;
	s19 =	sadd.s32 s6, s20;
	[smem:$0x7E7] =	sst s16  }
0x30: {  	s26 =	sadd.s32 $0x6180, s10;
	s22 =	sadd.s32 s6, s23;
	[smem:$0x7E9] =	sst s19  }
0x31: {  	s17 =	sadd.s32 $0x6900, s10;
	s15 =	sadd.s32 s7, s26;
	[smem:$0x7EB] =	sst s22  }
0x32: {  	s20 =	sadd.s32 $0x7080, s10;
	s18 =	sadd.s32 s7, s17;
	[smem:$0x7E6] =	sst s15  }
0x33: {  	s23 =	sadd.s32 $0x7800, s10;
	s21 =	sadd.s32 s7, s20;
	[smem:$0x7E8] =	sst s18  }
0x34: {  	s30 =	simm.s32 $0x5;
	s24 =	sadd.s32 s7, s23;
	[smem:$0x7EA] =	sst s21  }
0x35: {  	s28 =	simm.s32 $0x6;
	s25 =	sadd.s32 s6, s26;
	[smem:$0x7EC] =	sst s24  }
0x36: {  	p0 =	por $0x0, $0x0;
	s16 =	sadd.s32 s6, s17;
	[smem:$0x7ED] =	sst s25  }
0x37: {  	s5 =	ssub.s32 $0x2, s5;
	s19 =	sadd.s32 s6, s20;
	[smem:$0x7EF] =	sst s16  }
0x38: {  	s26 =	sadd.s32 $0x7F80, s10;
	s22 =	sadd.s32 s6, s23;
	[smem:$0x7F1] =	sst s19  }
0x39: {  	s17 =	sadd.s32 $0x8700, s10;
	s15 =	sadd.s32 s7, s26;
	[smem:$0x7F3] =	sst s22  }
0x3a: {  	s20 =	sadd.s32 $0x8E80, s10;
	s18 =	sadd.s32 s7, s17;
	[smem:$0x7EE] =	sst s15  }
0x3b: {  	s23 =	sadd.s32 $0x9600, s10;
	s21 =	sadd.s32 s7, s20;
	[smem:$0x7F0] =	sst s18  }
0x3c: {  	s14 =	sshll.u32 s8, $0x6;
	s24 =	sadd.s32 s7, s23;
	[smem:$0x7F2] =	sst s21  }
0x3d: {  	s10 =	sadd.s32 $0x9C00, s10;
	s25 =	sadd.s32 s6, s26;
	[smem:$0x7F4] =	sst s24  }
0x3e: {  	s8 =	simm.s32 $0xE;
	s26 =	sadd.s32 s7, s10;
	[smem:$0x7F5] =	sst s25  }
0x3f: {  	s7 =	sadd.s32 s6, s17;
	s11 =	sadd.s32 s6, s20;
	[smem:$0x7F6] =	sst s26  }
0x40: {  	s12 =	sadd.s32 s6, s23;
	s13 =	sadd.s32 s6, s10;
	[smem:$0x7F7] =	sst s7  }
0x41: {  	s16 =	sshrl.u32 s9, $0x3;
	s19 =	sadd.s32 s1, s14;
	[smem:$0x7F8] =	sst s11  }
0x42: {  	s22 =	simm.s32 $0x16800;
	s23 =	simm.s32 $0x8;
	[smem:$0x7F9] =	sst s12  }
0x43: {  	s10 =	simm.s32 $0xD;
	s9 =	simm.s32 $0xF;
	[smem:$0x7FA] =	sst s13  }
0x44: {  	s15 =	sadd.s32 s4, s14;
	s17 =	sadd.s32 s3, s16;
	s18 =	sshrl.u32 s5, $0x1  }
0x45: {  	[smem:$0x7FD] =	sst s19;
	s6 =	sadd.s32 s1, s16;
	s13 =	simm.s32 $0x3C00  }
0x46: {  	s12 =	simm.s32 $0x7800;
	s26 =	simm.s32 $0xF000;
	s3 =	ssub.s32 s5, s18  }
0x47: {  	s16 =	simm.s32 $0x2;
	s24 =	simm.s32 $0x12C00;
	s20 =	smax.u32 s3, $0x1  }
0x48: {  	s14 =	simm.s32 $0x3;
	s21 =	simm.s32 $0x1A400;
	p1 =	sne.s32 s20, $0x1  }
.Ltmp0:
0x49: {  	s4 =	simm.s32 $0xA;
	s25 =	simm.s32 $0x7;
	(pc) =	sbr.rel @!p1 .LBB2_3-.Ltmp0, $4  }
0x4a: {  	s11 =	simm.s32 $0xC;
	s7 =	simm.s32 $0x10;
	[smem:$0x7FB] =	sst s15  }
0x4b: {  	s19 =	simm.s32 $0x1E200;
	[smem:$0x7FC] =	sst s17;
	s18 =	simm.s32 $0x1  }
0x4c: {  	s5 =	simm.s32 $0x9;
	s17 =	simm.s32 $0x11;
	s15 =	simm.s32 $0x12  }
0x4d: {  	s3 =	simm.s32 $0xB;
	s1 =	sadd.s32 $0xFFFFFFFF, s20;
	s20 =	simm.s32 $0x1E000  }
0x4e: {  	[smem:$0x7DD] =	sst s1  }
0x4f: {  	[tilespmem:s2], [sflag:$0x1] =	stream.linear.gather [hbm4b:s0+s2], $0x3C00, $0x38;
	[tilespmem:$0x1EC80] =	vst v63  }
0x50: {  	s1 =	rddreg [dreg:$0x8]  }
0x51: {  	[tilespmem:s13], [sflag:$0x2] =	stream.linear.gather [hbm4b:s1+s2], $0x3C00, $0x38;
	[tilespmem:$0x1EC80] =	vst v63  }
0x52: {  	s0 =	rddreg [dreg:$0x9]  }
0x53: {  	[tilespmem:s12], [sflag:$0x3] =	stream.linear.gather [hbm4b:s0+s2], $0x3C00, $0x38;
	[tilespmem:$0x1EC80] =	vst v63  }
0x54: {  	s1 =	rddreg [dreg:$0xa]  }
0x55: {  	[tilespmem:s29], [sflag:$0x4] =	stream.linear.gather [hbm4b:s1+s2], $0x3C00, $0x38;
	[tilespmem:$0x1EC80] =	vst v63  }
0x56: {  	_ =	swait.ge [sflag:s18], $0x3C00  }
0x57: {  	[sflag:s18] =	ssyncset.done $0x0  }
0x58: {  	s0 =	rddreg [dreg:$0xb];
	[sflag:s18] =	ssyncadd.s32 $0xFFFFC400  }
0x59: {  	[hbm4b:s0+s2] =	stream.linear.scatter [tilespmem:s2], [sflag:$0x9], $0x3C00, $0x38;
	[tilespmem:$0x1EC80] =	vst v63  }
0x5a: {  	s1 =	rddreg [dreg:$0xc]  }
0x5b: {  	[tilespmem:s26], [sflag:$0x5] =	stream.linear.gather [hbm4b:s1+s2], $0x3C00, $0x38;
	[tilespmem:$0x1EC80] =	vst v63  }
0x5c: {  	_ =	swait.ge [sflag:s16], $0x3C00  }
0x5d: {  	[sflag:s16] =	ssyncset.done $0x0  }
0x5e: {  	s0 =	rddreg [dreg:$0xd];
	[sflag:s16] =	ssyncadd.s32 $0xFFFFC400  }
0x5f: {  	[hbm4b:s0+s2] =	stream.linear.scatter [tilespmem:s13], [sflag:$0xA], $0x3C00, $0x38;
	[tilespmem:$0x1EC80] =	vst v63  }
0x60: {  	s1 =	rddreg [dreg:$0xe]  }
0x61: {  	[tilespmem:s24], [sflag:$0x6] =	stream.linear.gather [hbm4b:s1+s2], $0x3C00, $0x38;
	[tilespmem:$0x1EC80] =	vst v63  }
0x62: {  	_ =	swait.ge [sflag:s14], $0x3C00  }
0x63: {  	[sflag:s14] =	ssyncset.done $0x0  }
0x64: {  	s0 =	rddreg [dreg:$0xf];
	[sflag:s14] =	ssyncadd.s32 $0xFFFFC400  }
0x65: {  	[hbm4b:s0+s2] =	stream.linear.scatter [tilespmem:s12], [sflag:$0xB], $0x3C00, $0x38;
	[tilespmem:$0x1EC80] =	vst v63  }
0x66: {  	s1 =	rddreg [dreg:$0x10]  }
0x67: {  	[tilespmem:s22], [sflag:$0x7] =	stream.linear.gather [hbm4b:s1+s2], $0x3C00, $0x38;
	[tilespmem:$0x1EC80] =	vst v63  }
0x68: {  	_ =	swait.ge [sflag:s31], $0x3C00  }
0x69: {  	[sflag:s31] =	ssyncset.done $0x0  }
0x6a: {  	s0 =	rddreg [dreg:$0x11];
	[sflag:s31] =	ssyncadd.s32 $0xFFFFC400  }
0x6b: {  	[hbm4b:s0+s2] =	stream.linear.scatter [tilespmem:s29], [sflag:$0xC], $0x3C00, $0x38;
	[tilespmem:$0x1EC80] =	vst v63  }
0x6c: {  	s1 =	rddreg [dreg:$0x12]  }
0x6d: {  	[tilespmem:s21], [sflag:$0x8] =	stream.linear.gather [hbm4b:s1+s2], $0x3C00, $0x38;
	[tilespmem:$0x1EC80] =	vst v63  }
0x6e: {  	_ =	swait.ge [sflag:s30], $0x3C00  }
0x6f: {  	[sflag:s30] =	ssyncset.done $0x0  }
0x70: {  	s1 =	rddreg [dreg:$0x13];
	[sflag:s30] =	ssyncadd.s32 $0xFFFFC400  }
0x71: {  	[hbm4b:s1+s2] =	stream.linear.scatter [tilespmem:s26], [sflag:$0xD], $0x3C00, $0x38;
	[tilespmem:$0x1EC80] =	vst v63  }
0x72: {  	_ =	swait.ge [sflag:s5], $0x3C00  }
0x73: {  	[sflag:s5] =	ssyncset.done $0x0  }
0x74: {  	s1 =	rddreg [dreg:$0x14];
	[sflag:s5] =	ssyncadd.s32 $0xFFFFC400  }
0x75: {  	[tilespmem:s2], [sflag:$0x1] =	stream.linear.gather [hbm4b:s1+s2], $0x3C00, $0x38;
	[tilespmem:$0x1EC80] =	vst v63  }
0x76: {  	_ =	swait.ge [sflag:s28], $0x3C00  }
0x77: {  	[sflag:s28] =	ssyncset.done $0x0  }
0x78: {  	s1 =	rddreg [dreg:$0x15];
	[sflag:s28] =	ssyncadd.s32 $0xFFFFC400  }
0x79: {  	[hbm4b:s1+s2] =	stream.linear.scatter [tilespmem:s24], [sflag:$0xE], $0x3C00, $0x38;
	[tilespmem:$0x1EC80] =	vst v63  }
0x7a: {  	_ =	swait.ge [sflag:s4], $0x3C00  }
0x7b: {  	[sflag:s4] =	ssyncset.done $0x0  }
0x7c: {  	s1 =	rddreg [dreg:$0x16];
	[sflag:s4] =	ssyncadd.s32 $0xFFFFC400  }
0x7d: {  	[tilespmem:s13], [sflag:$0x2] =	stream.linear.gather [hbm4b:s1+s2], $0x3C00, $0x38;
	[tilespmem:$0x1EC80] =	vst v63  }
0x7e: {  	_ =	swait.ge [sflag:s25], $0x3C00  }
0x7f: {  	[sflag:s25] =	ssyncset.done $0x0  }
0x80: {  	s1 =	rddreg [dreg:$0x17];
	[sflag:s25] =	ssyncadd.s32 $0xFFFFC400  }
0x81: {  	[hbm4b:s1+s2] =	stream.linear.scatter [tilespmem:s22], [sflag:$0xF], $0x3C00, $0x38;
	[tilespmem:$0x1EC80] =	vst v63  }
0x82: {  	_ =	swait.ge [sflag:s3], $0x3C00  }
0x83: {  	[sflag:s3] =	ssyncset.done $0x0  }
0x84: {  	s1 =	rddreg [dreg:$0x18];
	[sflag:s3] =	ssyncadd.s32 $0xFFFFC400  }
0x85: {  	[tilespmem:s12], [sflag:$0x3] =	stream.linear.gather [hbm4b:s1+s2], $0x3C00, $0x38;
	[tilespmem:$0x1EC80] =	vst v63  }
0x86: {  	_ =	swait.ge [sflag:s23], $0x3C00  }
0x87: {  	[sflag:s23] =	ssyncset.done $0x0  }
0x88: {  	s1 =	rddreg [dreg:$0x19];
	[sflag:s23] =	ssyncadd.s32 $0xFFFFC400  }
0x89: {  	[hbm4b:s1+s2] =	stream.linear.scatter [tilespmem:s21], [sflag:$0x10], $0x3C00, $0x38;
	[tilespmem:$0x1EC80] =	vst v63  }
0x8a: {  	_ =	swait.ge [sflag:s11], $0x3C00  }
0x8b: {  	[sflag:s11] =	ssyncset.done $0x0  }
0x8c: {  	s1 =	rddreg [dreg:$0x1a];
	[sflag:s11] =	ssyncadd.s32 $0xFFFFC400  }
0x8d: {  	[tilespmem:s29], [sflag:$0x4] =	stream.linear.gather [hbm4b:s1+s2], $0x3C00, $0x38;
	[tilespmem:$0x1EC80] =	vst v63  }
0x8e: {  	_ =	swait.ge [sflag:s18], $0x3C00  }
0x8f: {  	[sflag:s18] =	ssyncset.done $0x0  }
0x90: {  	s1 =	rddreg [dreg:$0x1b];
	[sflag:s18] =	ssyncadd.s32 $0xFFFFC400  }
0x91: {  	[hbm4b:s1+s2] =	stream.linear.scatter [tilespmem:s2], [sflag:$0x9], $0x3C00, $0x38;
	[tilespmem:$0x1EC80] =	vst v63  }
0x92: {  	_ =	swait.ge [sflag:s10], $0x3C00  }
0x93: {  	[sflag:s10] =	ssyncset.done $0x0  }
0x94: {  	s1 =	rddreg [dreg:$0x1c];
	[sflag:s10] =	ssyncadd.s32 $0xFFFFC400  }
0x95: {  	[tilespmem:s26], [sflag:$0x5] =	stream.linear.gather [hbm4b:s1+s2], $0x3C00, $0x38;
	[tilespmem:$0x1EC80] =	vst v63  }
0x96: {  	_ =	swait.ge [sflag:s16], $0x3C00  }
0x97: {  	[sflag:s16] =	ssyncset.done $0x0  }
0x98: {  	s1 =	rddreg [dreg:$0x1d];
	[sflag:s16] =	ssyncadd.s32 $0xFFFFC400  }
0x99: {  	[hbm4b:s1+s2] =	stream.linear.scatter [tilespmem:s13], [sflag:$0xA], $0x3C00, $0x38;
	[tilespmem:$0x1EC80] =	vst v63  }
0x9a: {  	_ =	swait.ge [sflag:s8], $0x3C00  }
0x9b: {  	[sflag:s8] =	ssyncset.done $0x0  }
0x9c: {  	s1 =	rddreg [dreg:$0x1e];
	[sflag:s8] =	ssyncadd.s32 $0xFFFFC400  }
0x9d: {  	[tilespmem:s24], [sflag:$0x6] =	stream.linear.gather [hbm4b:s1+s2], $0x3C00, $0x38;
	[tilespmem:$0x1EC80] =	vst v63  }
0x9e: {  	_ =	swait.ge [sflag:s14], $0x3C00  }
0x9f: {  	[sflag:s14] =	ssyncset.done $0x0  }
0xa0: {  	s1 =	rddreg [dreg:$0x1f];
	[sflag:s14] =	ssyncadd.s32 $0xFFFFC400  }
0xa1: {  	[hbm4b:s1+s2] =	stream.linear.scatter [tilespmem:s12], [sflag:$0xB], $0x3C00, $0x38;
	[tilespmem:$0x1EC80] =	vst v63  }
0xa2: {  	_ =	swait.ge [sflag:s9], $0x3C00  }
0xa3: {  	s1 =	sld [smem:$0x7DE]  }
0xa4: {  	[sflag:s9] =	ssyncset.done $0x0  }
0xa5: {  	[sflag:s9] =	ssyncadd.s32 $0xFFFFC400  }
0xa6: {  	[tilespmem:s22], [sflag:$0x7] =	stream.linear.gather [hbm4b:s1+s2], $0x3C00, $0x38;
	[tilespmem:$0x1EC80] =	vst v63  }
0xa7: {  	_ =	swait.ge [sflag:s31], $0x3C00  }
0xa8: {  	s1 =	sld [smem:$0x7DF]  }
0xa9: {  	[sflag:s31] =	ssyncset.done $0x0  }
0xaa: {  	[sflag:s31] =	ssyncadd.s32 $0xFFFFC400  }
0xab: {  	[hbm4b:s1+s2] =	stream.linear.scatter [tilespmem:s29], [sflag:$0xC], $0x3C00, $0x38;
	[tilespmem:$0x1EC80] =	vst v63  }
0xac: {  	_ =	swait.ge [sflag:s7], $0x3C00  }
0xad: {  	s1 =	sld [smem:$0x7E0]  }
0xae: {  	[sflag:s7] =	ssyncset.done $0x0  }
0xaf: {  	[sflag:s7] =	ssyncadd.s32 $0xFFFFC400  }
0xb0: {  	[tilespmem:s21], [sflag:$0x8] =	stream.linear.gather [hbm4b:s1+s2], $0x3C00, $0x38;
	[tilespmem:$0x1EC80] =	vst v63  }
0xb1: {  	_ =	swait.ge [sflag:s30], $0x3C00  }
0xb2: {  	s1 =	sld [smem:$0x7E1]  }
0xb3: {  	[sflag:s30] =	ssyncset.done $0x0  }
0xb4: {  	[sflag:s30] =	ssyncadd.s32 $0xFFFFC400  }
0xb5: {  	[hbm4b:s1+s2] =	stream.linear.scatter [tilespmem:s26], [sflag:$0xD], $0x3C00, $0x38;
	[tilespmem:$0x1EC80] =	vst v63  }
0xb6: {  	_ =	swait.ge [sflag:s5], $0x3C00  }
0xb7: {  	s1 =	sld [smem:$0x7E2]  }
0xb8: {  	[sflag:s5] =	ssyncset.done $0x0  }
0xb9: {  	[sflag:s5] =	ssyncadd.s32 $0xFFFFC400  }
0xba: {  	[tilespmem:s2], [sflag:$0x1] =	stream.linear.gather [hbm4b:s1+s2], $0x3C00, $0x38;
	[tilespmem:$0x1EC80] =	vst v63  }
0xbb: {  	_ =	swait.ge [sflag:s28], $0x3C00  }
0xbc: {  	s1 =	sld [smem:$0x7E3]  }
0xbd: {  	[sflag:s28] =	ssyncset.done $0x0  }
0xbe: {  	[sflag:s28] =	ssyncadd.s32 $0xFFFFC400  }
0xbf: {  	[hbm4b:s1+s2] =	stream.linear.scatter [tilespmem:s24], [sflag:$0xE], $0x3C00, $0x38;
	[tilespmem:$0x1EC80] =	vst v63  }
0xc0: {  	_ =	swait.ge [sflag:s4], $0x3C00  }
0xc1: {  	s1 =	sld [smem:$0x7E4]  }
0xc2: {  	[sflag:s4] =	ssyncset.done $0x0  }
0xc3: {  	[sflag:s4] =	ssyncadd.s32 $0xFFFFC400  }
0xc4: {  	[tilespmem:s13], [sflag:$0x2] =	stream.linear.gather [hbm4b:s1+s2], $0x3C00, $0x38;
	[tilespmem:$0x1EC80] =	vst v63  }
0xc5: {  	_ =	swait.ge [sflag:s25], $0x3C00  }
0xc6: {  	s1 =	sld [smem:$0x7E5]  }
0xc7: {  	[sflag:s25] =	ssyncset.done $0x0  }
0xc8: {  	[sflag:s25] =	ssyncadd.s32 $0xFFFFC400  }
0xc9: {  	[hbm4b:s1+s2] =	stream.linear.scatter [tilespmem:s22], [sflag:$0xF], $0x3C00, $0x38;
	[tilespmem:$0x1EC80] =	vst v63  }
0xca: {  	_ =	swait.ge [sflag:s3], $0x3C00  }
0xcb: {  	s1 =	sld [smem:$0x7E6]  }
0xcc: {  	[sflag:s3] =	ssyncset.done $0x0  }
0xcd: {  	[sflag:s3] =	ssyncadd.s32 $0xFFFFC400  }
0xce: {  	[tilespmem:s12], [sflag:$0x3] =	stream.linear.gather [hbm4b:s1+s2], $0x3C00, $0x38;
	[tilespmem:$0x1EC80] =	vst v63  }
0xcf: {  	_ =	swait.ge [sflag:s23], $0x3C00  }
0xd0: {  	s1 =	sld [smem:$0x7E7]  }
0xd1: {  	[sflag:s23] =	ssyncset.done $0x0  }
0xd2: {  	[sflag:s23] =	ssyncadd.s32 $0xFFFFC400  }
0xd3: {  	[hbm4b:s1+s2] =	stream.linear.scatter [tilespmem:s21], [sflag:$0x10], $0x3C00, $0x38;
	[tilespmem:$0x1EC80] =	vst v63  }
0xd4: {  	_ =	swait.ge [sflag:s11], $0x3C00  }
0xd5: {  	s1 =	sld [smem:$0x7E8]  }
0xd6: {  	[sflag:s11] =	ssyncset.done $0x0  }
0xd7: {  	[sflag:s11] =	ssyncadd.s32 $0xFFFFC400  }
0xd8: {  	[tilespmem:s29], [sflag:$0x4] =	stream.linear.gather [hbm4b:s1+s2], $0x3C00, $0x38;
	[tilespmem:$0x1EC80] =	vst v63  }
0xd9: {  	_ =	swait.ge [sflag:s18], $0x3C00  }
0xda: {  	s1 =	sld [smem:$0x7E9]  }
0xdb: {  	[sflag:s18] =	ssyncset.done $0x0  }
0xdc: {  	[sflag:s18] =	ssyncadd.s32 $0xFFFFC400  }
0xdd: {  	[hbm4b:s1+s2] =	stream.linear.scatter [tilespmem:s2], [sflag:$0x9], $0x3C00, $0x38;
	[tilespmem:$0x1EC80] =	vst v63  }
0xde: {  	_ =	swait.ge [sflag:s10], $0x3C00  }
0xdf: {  	s1 =	sld [smem:$0x7EA]  }
0xe0: {  	[sflag:s10] =	ssyncset.done $0x0  }
0xe1: {  	[sflag:s10] =	ssyncadd.s32 $0xFFFFC400  }
0xe2: {  	[tilespmem:s26], [sflag:$0x5] =	stream.linear.gather [hbm4b:s1+s2], $0x3C00, $0x38;
	[tilespmem:$0x1EC80] =	vst v63  }
0xe3: {  	_ =	swait.ge [sflag:s16], $0x3C00  }
0xe4: {  	s1 =	sld [smem:$0x7EB]  }
0xe5: {  	[sflag:s16] =	ssyncset.done $0x0  }
0xe6: {  	[sflag:s16] =	ssyncadd.s32 $0xFFFFC400  }
0xe7: {  	[hbm4b:s1+s2] =	stream.linear.scatter [tilespmem:s13], [sflag:$0xA], $0x3C00, $0x38;
	[tilespmem:$0x1EC80] =	vst v63  }
0xe8: {  	_ =	swait.ge [sflag:s8], $0x3C00  }
0xe9: {  	s1 =	sld [smem:$0x7EC]  }
0xea: {  	[sflag:s8] =	ssyncset.done $0x0  }
0xeb: {  	[sflag:s8] =	ssyncadd.s32 $0xFFFFC400  }
0xec: {  	[tilespmem:s24], [sflag:$0x6] =	stream.linear.gather [hbm4b:s1+s2], $0x3C00, $0x38;
	[tilespmem:$0x1EC80] =	vst v63  }
0xed: {  	_ =	swait.ge [sflag:s14], $0x3C00  }
0xee: {  	s1 =	sld [smem:$0x7ED]  }
0xef: {  	[sflag:s14] =	ssyncset.done $0x0  }
0xf0: {  	[sflag:s14] =	ssyncadd.s32 $0xFFFFC400  }
0xf1: {  	[hbm4b:s1+s2] =	stream.linear.scatter [tilespmem:s12], [sflag:$0xB], $0x3C00, $0x38;
	[tilespmem:$0x1EC80] =	vst v63  }
0xf2: {  	_ =	swait.ge [sflag:s9], $0x3C00  }
0xf3: {  	s1 =	sld [smem:$0x7EE]  }
0xf4: {  	[sflag:s9] =	ssyncset.done $0x0  }
0xf5: {  	[sflag:s9] =	ssyncadd.s32 $0xFFFFC400  }
0xf6: {  	[tilespmem:s22], [sflag:$0x7] =	stream.linear.gather [hbm4b:s1+s2], $0x3C00, $0x38;
	[tilespmem:$0x1EC80] =	vst v63  }
0xf7: {  	_ =	swait.ge [sflag:s31], $0x3C00  }
0xf8: {  	s1 =	sld [smem:$0x7EF]  }
0xf9: {  	[sflag:s31] =	ssyncset.done $0x0  }
0xfa: {  	[sflag:s31] =	ssyncadd.s32 $0xFFFFC400  }
0xfb: {  	[hbm4b:s1+s2] =	stream.linear.scatter [tilespmem:s29], [sflag:$0xC], $0x3C00, $0x38;
	[tilespmem:$0x1EC80] =	vst v63  }
0xfc: {  	_ =	swait.ge [sflag:s7], $0x3C00  }
0xfd: {  	s1 =	sld [smem:$0x7F0]  }
0xfe: {  	[sflag:s7] =	ssyncset.done $0x0  }
0xff: {  	[sflag:s7] =	ssyncadd.s32 $0xFFFFC400  }
0x100: {  	[tilespmem:s21], [sflag:$0x8] =	stream.linear.gather [hbm4b:s1+s2], $0x3C00, $0x38;
	[tilespmem:$0x1EC80] =	vst v63  }
0x101: {  	_ =	swait.ge [sflag:s30], $0x3C00  }
0x102: {  	s1 =	sld [smem:$0x7F1]  }
0x103: {  	[sflag:s30] =	ssyncset.done $0x0  }
0x104: {  	[sflag:s30] =	ssyncadd.s32 $0xFFFFC400  }
0x105: {  	[hbm4b:s1+s2] =	stream.linear.scatter [tilespmem:s26], [sflag:$0xD], $0x3C00, $0x38;
	[tilespmem:$0x1EC80] =	vst v63  }
0x106: {  	_ =	swait.ge [sflag:s5], $0x3C00  }
0x107: {  	s1 =	sld [smem:$0x7F2]  }
0x108: {  	[sflag:s5] =	ssyncset.done $0x0  }
0x109: {  	[sflag:s5] =	ssyncadd.s32 $0xFFFFC400  }
0x10a: {  	[tilespmem:s2], [sflag:$0x1] =	stream.linear.gather [hbm4b:s1+s2], $0x3C00, $0x38;
	[tilespmem:$0x1EC80] =	vst v63  }
0x10b: {  	_ =	swait.ge [sflag:s28], $0x3C00  }
0x10c: {  	s1 =	sld [smem:$0x7F3]  }
0x10d: {  	[sflag:s28] =	ssyncset.done $0x0  }
0x10e: {  	[sflag:s28] =	ssyncadd.s32 $0xFFFFC400  }
0x10f: {  	[hbm4b:s1+s2] =	stream.linear.scatter [tilespmem:s24], [sflag:$0xE], $0x3C00, $0x38;
	[tilespmem:$0x1EC80] =	vst v63  }
0x110: {  	_ =	swait.ge [sflag:s4], $0x3C00  }
0x111: {  	s1 =	sld [smem:$0x7F4]  }
0x112: {  	[sflag:s4] =	ssyncset.done $0x0  }
0x113: {  	[sflag:s4] =	ssyncadd.s32 $0xFFFFC400  }
0x114: {  	[tilespmem:s13], [sflag:$0x2] =	stream.linear.gather [hbm4b:s1+s2], $0x3C00, $0x38;
	[tilespmem:$0x1EC80] =	vst v63  }
0x115: {  	_ =	swait.ge [sflag:s25], $0x3C00  }
0x116: {  	s1 =	sld [smem:$0x7F5]  }
0x117: {  	[sflag:s25] =	ssyncset.done $0x0  }
0x118: {  	[sflag:s25] =	ssyncadd.s32 $0xFFFFC400  }
0x119: {  	[hbm4b:s1+s2] =	stream.linear.scatter [tilespmem:s22], [sflag:$0xF], $0x3C00, $0x38;
	[tilespmem:$0x1EC80] =	vst v63  }
0x11a: {  	_ =	swait.ge [sflag:s3], $0x3C00  }
0x11b: {  	s1 =	sld [smem:$0x7F6]  }
0x11c: {  	[sflag:s3] =	ssyncset.done $0x0  }
0x11d: {  	[sflag:s3] =	ssyncadd.s32 $0xFFFFC400  }
0x11e: {  	[tilespmem:s12], [sflag:$0x3] =	stream.linear.gather [hbm4b:s1+s2], $0x3C00, $0x38;
	[tilespmem:$0x1EC80] =	vst v63  }
0x11f: {  	_ =	swait.ge [sflag:s23], $0x3C00  }
0x120: {  	s1 =	sld [smem:$0x7F7]  }
0x121: {  	[sflag:s23] =	ssyncset.done $0x0  }
0x122: {  	[sflag:s23] =	ssyncadd.s32 $0xFFFFC400  }
0x123: {  	[hbm4b:s1+s2] =	stream.linear.scatter [tilespmem:s21], [sflag:$0x10], $0x3C00, $0x38;
	[tilespmem:$0x1EC80] =	vst v63  }
0x124: {  	_ =	swait.ge [sflag:s18], $0x3C00  }
0x125: {  	s1 =	sld [smem:$0x7F8]  }
0x126: {  	[sflag:s18] =	ssyncset.done $0x0  }
0x127: {  	[sflag:s18] =	ssyncadd.s32 $0xFFFFC400  }
0x128: {  	[hbm4b:s1+s2] =	stream.linear.scatter [tilespmem:s2], [sflag:$0x9], $0x3C00, $0x38;
	[tilespmem:$0x1EC80] =	vst v63  }
0x129: {  	_ =	swait.ge [sflag:s16], $0x3C00  }
0x12a: {  	s1 =	sld [smem:$0x7F9]  }
0x12b: {  	[sflag:s16] =	ssyncset.done $0x0  }
0x12c: {  	[sflag:s16] =	ssyncadd.s32 $0xFFFFC400  }
0x12d: {  	[hbm4b:s1+s2] =	stream.linear.scatter [tilespmem:s13], [sflag:$0xA], $0x3C00, $0x38;
	[tilespmem:$0x1EC80] =	vst v63  }
0x12e: {  	_ =	swait.ge [sflag:s14], $0x3C00  }
0x12f: {  	s0 =	sld [smem:$0x7FA]  }
0x130: {  	[sflag:s14] =	ssyncset.done $0x0  }
0x131: {  	s1 =	sld [smem:$0x7FB];
	[sflag:s14] =	ssyncadd.s32 $0xFFFFC400  }
0x132: {  	[hbm4b:s0+s2] =	stream.linear.scatter [tilespmem:s12], [sflag:$0xB], $0x3C00, $0x38;
	[tilespmem:$0x1EC80] =	vst v63  }
0x133: {  	s0 =	sld [smem:$0x7FC]  }
0x134: {  	[tilespmem:s20], [sflag:$0x11] =	stream.linear.gather [hbm4b:s1+s2], $0x200, $0x38;
	[tilespmem:$0x1EC80] =	vst v63  }
0x135: {  	_ = 	snop  }
0x136: {  	[tilespmem:s19], [sflag:$0x12] =	stream.linear.gather [hbm4b:s0+s2], $0xA38, $0x38;
	[tilespmem:$0x1EC80] =	vst v63  }
0x137: {  	_ =	swait.ge [sflag:s17], $0x200  }
0x138: {  	s1 =	sld [smem:$0x7FD]  }
0x139: {  	[sflag:s17] =	ssyncset.done $0x0  }
0x13a: {  	[sflag:s17] =	ssyncadd.s32 $0xFFFFFE00  }
0x13b: {  	[hbm4b:s1+s2] =	stream.linear.scatter [tilespmem:s20], [sflag:$0x11], $0x200, $0x38;
	[tilespmem:$0x1EC80] =	vst v63  }
0x13c: {  	_ =	swait.ge [sflag:s15], $0xA38  }
0x13d: {  	[sflag:s15] =	ssyncset.done $0x0  }
0x13e: {  	[sflag:s15] =	ssyncadd.s32 $0xFFFFF5C8  }
0x13f: {  	[hbm4b:s6+s2] =	stream.linear.scatter [tilespmem:s19], [sflag:$0x12], $0xA38, $0x38;
	[tilespmem:$0x1EC80] =	vst v63  }
0x140: {  	_ =	swait.ge [sflag:s17], $0x200  }
0x141: {  	[sflag:s17] =	ssyncset.done $0x0  }
0x142: {  	[sflag:s17] =	ssyncadd.s32 $0xFFFFFE00  }
0x143: {  	_ =	swait.ge [sflag:s15], $0xA38  }
0x144: {  	[sflag:s15] =	ssyncset.done $0x0  }
0x145: {  	[sflag:s15] =	ssyncadd.s32 $0xFFFFF5C8  }
0x146: {  	_ =	swait.ge [sflag:s11], $0x3C00  }
0x147: {  	[sflag:s11] =	ssyncset.done $0x0  }
0x148: {  	[sflag:s11] =	ssyncadd.s32 $0xFFFFC400  }
0x149: {  	_ =	swait.ge [sflag:s10], $0x3C00  }
0x14a: {  	[sflag:s10] =	ssyncset.done $0x0  }
0x14b: {  	[sflag:s10] =	ssyncadd.s32 $0xFFFFC400  }
0x14c: {  	_ =	swait.ge [sflag:s8], $0x3C00  }
0x14d: {  	[sflag:s8] =	ssyncset.done $0x0  }
0x14e: {  	[sflag:s8] =	ssyncadd.s32 $0xFFFFC400  }
0x14f: {  	_ =	swait.ge [sflag:s9], $0x3C00  }
0x150: {  	[sflag:s9] =	ssyncset.done $0x0  }
0x151: {  	[sflag:s9] =	ssyncadd.s32 $0xFFFFC400  }
0x152: {  	_ =	swait.ge [sflag:s7], $0x3C00  }
0x153: {  	[sflag:s7] =	ssyncset.done $0x0  }
0x154: {  	[sflag:s7] =	ssyncadd.s32 $0xFFFFC400  }
0x155: {  	_ =	swait.ge [sflag:s5], $0x3C00  }
0x156: {  	[sflag:s5] =	ssyncset.done $0x0  }
0x157: {  	[sflag:s5] =	ssyncadd.s32 $0xFFFFC400  }
0x158: {  	_ =	swait.ge [sflag:s4], $0x3C00  }
0x159: {  	s1 =	sld [smem:$0x7DD];
	_ =	sdelay $0x2  }
0x15a: {  	p1 =	sne.s32 s1, $0x1  }
.Ltmp1:
0x15b: {  	_ = 	snop;
	(pc) =	sbr.rel @!p1 .LBB2_3-.Ltmp1, $4  }
0x15c: {  	[sflag:s4] =	ssyncset.done $0x0  }
0x15d: {  	[sflag:s4] =	ssyncadd.s32 $0xFFFFC400  }
0x15e: {  	p0 =	por $0x1, $0x1;
	_ =	swait.ge [sflag:s3], $0x3C00  }
0x15f: {  	s1 =	sadd.s32 $0xFFFFFFFF, s1;
	s0 =	rddreg [dreg:$0x7];
	[sflag:s3] =	ssyncset.done $0x0  }
.LBB2_2:
0x160: {  	[sflag:s3] =	ssyncadd.s32 $0xFFFFC400  }
0x161: {  	[tilespmem:s2], [sflag:$0x1] =	stream.linear.gather [hbm4b:s0+s2], $0x3C00, $0x38;
	[tilespmem:$0x1EC80] =	vst v63  }
0x162: {  	s19 =	smov.u32 s6;
	s6 =	rddreg [dreg:$0x8]  }
0x163: {  	[tilespmem:s13], [sflag:$0x2] =	stream.linear.gather [hbm4b:s6+s2], $0x3C00, $0x38;
	[tilespmem:$0x1EC80] =	vst v63  }
0x164: {  	s0 =	rddreg [dreg:$0x9]  }
0x165: {  	[tilespmem:s12], [sflag:$0x3] =	stream.linear.gather [hbm4b:s0+s2], $0x3C00, $0x38;
	[tilespmem:$0x1EC80] =	vst v63  }
0x166: {  	s6 =	rddreg [dreg:$0xa]  }
0x167: {  	[tilespmem:s29], [sflag:$0x4] =	stream.linear.gather [hbm4b:s6+s2], $0x3C00, $0x38;
	[tilespmem:$0x1EC80] =	vst v63  }
0x168: {  	_ =	swait.ge [sflag:s18], $0x3C00  }
0x169: {  	[sflag:s18] =	ssyncset.done $0x0  }
0x16a: {  	s0 =	rddreg [dreg:$0xb];
	[sflag:s18] =	ssyncadd.s32 $0xFFFFC400  }
0x16b: {  	[hbm4b:s0+s2] =	stream.linear.scatter [tilespmem:s2], [sflag:$0x9], $0x3C00, $0x38;
	[tilespmem:$0x1EC80] =	vst v63  }
0x16c: {  	s6 =	rddreg [dreg:$0xc]  }
0x16d: {  	[tilespmem:s26], [sflag:$0x5] =	stream.linear.gather [hbm4b:s6+s2], $0x3C00, $0x38;
	[tilespmem:$0x1EC80] =	vst v63  }
0x16e: {  	_ =	swait.ge [sflag:s16], $0x3C00  }
0x16f: {  	[sflag:s16] =	ssyncset.done $0x0  }
0x170: {  	s0 =	rddreg [dreg:$0xd];
	[sflag:s16] =	ssyncadd.s32 $0xFFFFC400  }
0x171: {  	[hbm4b:s0+s2] =	stream.linear.scatter [tilespmem:s13], [sflag:$0xA], $0x3C00, $0x38;
	[tilespmem:$0x1EC80] =	vst v63  }
0x172: {  	s6 =	rddreg [dreg:$0xe]  }
0x173: {  	[tilespmem:s24], [sflag:$0x6] =	stream.linear.gather [hbm4b:s6+s2], $0x3C00, $0x38;
	[tilespmem:$0x1EC80] =	vst v63  }
0x174: {  	_ =	swait.ge [sflag:s14], $0x3C00  }
0x175: {  	[sflag:s14] =	ssyncset.done $0x0  }
0x176: {  	s0 =	rddreg [dreg:$0xf];
	[sflag:s14] =	ssyncadd.s32 $0xFFFFC400  }
0x177: {  	[hbm4b:s0+s2] =	stream.linear.scatter [tilespmem:s12], [sflag:$0xB], $0x3C00, $0x38;
	[tilespmem:$0x1EC80] =	vst v63  }
0x178: {  	s6 =	rddreg [dreg:$0x10]  }
0x179: {  	[tilespmem:s22], [sflag:$0x7] =	stream.linear.gather [hbm4b:s6+s2], $0x3C00, $0x38;
	[tilespmem:$0x1EC80] =	vst v63  }
0x17a: {  	_ =	swait.ge [sflag:s31], $0x3C00  }
0x17b: {  	[sflag:s31] =	ssyncset.done $0x0  }
0x17c: {  	s0 =	rddreg [dreg:$0x11];
	[sflag:s31] =	ssyncadd.s32 $0xFFFFC400  }
0x17d: {  	[hbm4b:s0+s2] =	stream.linear.scatter [tilespmem:s29], [sflag:$0xC], $0x3C00, $0x38;
	[tilespmem:$0x1EC80] =	vst v63  }
0x17e: {  	s6 =	rddreg [dreg:$0x12]  }
0x17f: {  	[tilespmem:s21], [sflag:$0x8] =	stream.linear.gather [hbm4b:s6+s2], $0x3C00, $0x38;
	[tilespmem:$0x1EC80] =	vst v63  }
0x180: {  	_ =	swait.ge [sflag:s30], $0x3C00  }
0x181: {  	[sflag:s30] =	ssyncset.done $0x0  }
0x182: {  	s6 =	rddreg [dreg:$0x13];
	[sflag:s30] =	ssyncadd.s32 $0xFFFFC400  }
0x183: {  	[hbm4b:s6+s2] =	stream.linear.scatter [tilespmem:s26], [sflag:$0xD], $0x3C00, $0x38;
	[tilespmem:$0x1EC80] =	vst v63  }
0x184: {  	_ =	swait.ge [sflag:s5], $0x3C00  }
0x185: {  	[sflag:s5] =	ssyncset.done $0x0  }
0x186: {  	s6 =	rddreg [dreg:$0x14];
	[sflag:s5] =	ssyncadd.s32 $0xFFFFC400  }
0x187: {  	[tilespmem:s2], [sflag:$0x1] =	stream.linear.gather [hbm4b:s6+s2], $0x3C00, $0x38;
	[tilespmem:$0x1EC80] =	vst v63  }
0x188: {  	_ =	swait.ge [sflag:s28], $0x3C00  }
0x189: {  	[sflag:s28] =	ssyncset.done $0x0  }
0x18a: {  	s6 =	rddreg [dreg:$0x15];
	[sflag:s28] =	ssyncadd.s32 $0xFFFFC400  }
0x18b: {  	[hbm4b:s6+s2] =	stream.linear.scatter [tilespmem:s24], [sflag:$0xE], $0x3C00, $0x38;
	[tilespmem:$0x1EC80] =	vst v63  }
0x18c: {  	_ =	swait.ge [sflag:s4], $0x3C00  }
0x18d: {  	[sflag:s4] =	ssyncset.done $0x0  }
0x18e: {  	s6 =	rddreg [dreg:$0x16];
	[sflag:s4] =	ssyncadd.s32 $0xFFFFC400  }
0x18f: {  	[tilespmem:s13], [sflag:$0x2] =	stream.linear.gather [hbm4b:s6+s2], $0x3C00, $0x38;
	[tilespmem:$0x1EC80] =	vst v63  }
0x190: {  	_ =	swait.ge [sflag:s25], $0x3C00  }
0x191: {  	[sflag:s25] =	ssyncset.done $0x0  }
0x192: {  	s6 =	rddreg [dreg:$0x17];
	[sflag:s25] =	ssyncadd.s32 $0xFFFFC400  }
0x193: {  	[hbm4b:s6+s2] =	stream.linear.scatter [tilespmem:s22], [sflag:$0xF], $0x3C00, $0x38;
	[tilespmem:$0x1EC80] =	vst v63  }
0x194: {  	_ =	swait.ge [sflag:s3], $0x3C00  }
0x195: {  	[sflag:s3] =	ssyncset.done $0x0  }
0x196: {  	s6 =	rddreg [dreg:$0x18];
	[sflag:s3] =	ssyncadd.s32 $0xFFFFC400  }
0x197: {  	[tilespmem:s12], [sflag:$0x3] =	stream.linear.gather [hbm4b:s6+s2], $0x3C00, $0x38;
	[tilespmem:$0x1EC80] =	vst v63  }
0x198: {  	_ =	swait.ge [sflag:s23], $0x3C00  }
0x199: {  	[sflag:s23] =	ssyncset.done $0x0  }
0x19a: {  	s6 =	rddreg [dreg:$0x19];
	[sflag:s23] =	ssyncadd.s32 $0xFFFFC400  }
0x19b: {  	[hbm4b:s6+s2] =	stream.linear.scatter [tilespmem:s21], [sflag:$0x10], $0x3C00, $0x38;
	[tilespmem:$0x1EC80] =	vst v63  }
0x19c: {  	_ =	swait.ge [sflag:s11], $0x3C00  }
0x19d: {  	[sflag:s11] =	ssyncset.done $0x0  }
0x19e: {  	s6 =	rddreg [dreg:$0x1a];
	[sflag:s11] =	ssyncadd.s32 $0xFFFFC400  }
0x19f: {  	[tilespmem:s29], [sflag:$0x4] =	stream.linear.gather [hbm4b:s6+s2], $0x3C00, $0x38;
	[tilespmem:$0x1EC80] =	vst v63  }
0x1a0: {  	_ =	swait.ge [sflag:s18], $0x3C00  }
0x1a1: {  	[sflag:s18] =	ssyncset.done $0x0  }
0x1a2: {  	s6 =	rddreg [dreg:$0x1b];
	[sflag:s18] =	ssyncadd.s32 $0xFFFFC400  }
0x1a3: {  	[hbm4b:s6+s2] =	stream.linear.scatter [tilespmem:s2], [sflag:$0x9], $0x3C00, $0x38;
	[tilespmem:$0x1EC80] =	vst v63  }
0x1a4: {  	_ =	swait.ge [sflag:s10], $0x3C00  }
0x1a5: {  	[sflag:s10] =	ssyncset.done $0x0  }
0x1a6: {  	s6 =	rddreg [dreg:$0x1c];
	[sflag:s10] =	ssyncadd.s32 $0xFFFFC400  }
0x1a7: {  	[tilespmem:s26], [sflag:$0x5] =	stream.linear.gather [hbm4b:s6+s2], $0x3C00, $0x38;
	[tilespmem:$0x1EC80] =	vst v63  }
0x1a8: {  	_ =	swait.ge [sflag:s16], $0x3C00  }
0x1a9: {  	[sflag:s16] =	ssyncset.done $0x0  }
0x1aa: {  	s6 =	rddreg [dreg:$0x1d];
	[sflag:s16] =	ssyncadd.s32 $0xFFFFC400  }
0x1ab: {  	[hbm4b:s6+s2] =	stream.linear.scatter [tilespmem:s13], [sflag:$0xA], $0x3C00, $0x38;
	[tilespmem:$0x1EC80] =	vst v63  }
0x1ac: {  	_ =	swait.ge [sflag:s8], $0x3C00  }
0x1ad: {  	[sflag:s8] =	ssyncset.done $0x0  }
0x1ae: {  	s6 =	rddreg [dreg:$0x1e];
	[sflag:s8] =	ssyncadd.s32 $0xFFFFC400  }
0x1af: {  	[tilespmem:s24], [sflag:$0x6] =	stream.linear.gather [hbm4b:s6+s2], $0x3C00, $0x38;
	[tilespmem:$0x1EC80] =	vst v63  }
0x1b0: {  	_ =	swait.ge [sflag:s14], $0x3C00  }
0x1b1: {  	[sflag:s14] =	ssyncset.done $0x0  }
0x1b2: {  	s6 =	rddreg [dreg:$0x1f];
	[sflag:s14] =	ssyncadd.s32 $0xFFFFC400  }
0x1b3: {  	[hbm4b:s6+s2] =	stream.linear.scatter [tilespmem:s12], [sflag:$0xB], $0x3C00, $0x38;
	[tilespmem:$0x1EC80] =	vst v63  }
0x1b4: {  	_ =	swait.ge [sflag:s9], $0x3C00  }
0x1b5: {  	s6 =	sld [smem:$0x7DE]  }
0x1b6: {  	[sflag:s9] =	ssyncset.done $0x0  }
0x1b7: {  	[sflag:s9] =	ssyncadd.s32 $0xFFFFC400  }
0x1b8: {  	[tilespmem:s22], [sflag:$0x7] =	stream.linear.gather [hbm4b:s6+s2], $0x3C00, $0x38;
	[tilespmem:$0x1EC80] =	vst v63  }
0x1b9: {  	_ =	swait.ge [sflag:s31], $0x3C00  }
0x1ba: {  	s6 =	sld [smem:$0x7DF]  }
0x1bb: {  	[sflag:s31] =	ssyncset.done $0x0  }
0x1bc: {  	[sflag:s31] =	ssyncadd.s32 $0xFFFFC400  }
0x1bd: {  	[hbm4b:s6+s2] =	stream.linear.scatter [tilespmem:s29], [sflag:$0xC], $0x3C00, $0x38;
	[tilespmem:$0x1EC80] =	vst v63  }
0x1be: {  	_ =	swait.ge [sflag:s7], $0x3C00  }
0x1bf: {  	s6 =	sld [smem:$0x7E0]  }
0x1c0: {  	[sflag:s7] =	ssyncset.done $0x0  }
0x1c1: {  	[sflag:s7] =	ssyncadd.s32 $0xFFFFC400  }
0x1c2: {  	[tilespmem:s21], [sflag:$0x8] =	stream.linear.gather [hbm4b:s6+s2], $0x3C00, $0x38;
	[tilespmem:$0x1EC80] =	vst v63  }
0x1c3: {  	_ =	swait.ge [sflag:s30], $0x3C00  }
0x1c4: {  	s6 =	sld [smem:$0x7E1]  }
0x1c5: {  	[sflag:s30] =	ssyncset.done $0x0  }
0x1c6: {  	[sflag:s30] =	ssyncadd.s32 $0xFFFFC400  }
0x1c7: {  	[hbm4b:s6+s2] =	stream.linear.scatter [tilespmem:s26], [sflag:$0xD], $0x3C00, $0x38;
	[tilespmem:$0x1EC80] =	vst v63  }
0x1c8: {  	_ =	swait.ge [sflag:s5], $0x3C00  }
0x1c9: {  	s6 =	sld [smem:$0x7E2]  }
0x1ca: {  	[sflag:s5] =	ssyncset.done $0x0  }
0x1cb: {  	[sflag:s5] =	ssyncadd.s32 $0xFFFFC400  }
0x1cc: {  	[tilespmem:s2], [sflag:$0x1] =	stream.linear.gather [hbm4b:s6+s2], $0x3C00, $0x38;
	[tilespmem:$0x1EC80] =	vst v63  }
0x1cd: {  	_ =	swait.ge [sflag:s28], $0x3C00  }
0x1ce: {  	s6 =	sld [smem:$0x7E3]  }
0x1cf: {  	[sflag:s28] =	ssyncset.done $0x0  }
0x1d0: {  	[sflag:s28] =	ssyncadd.s32 $0xFFFFC400  }
0x1d1: {  	[hbm4b:s6+s2] =	stream.linear.scatter [tilespmem:s24], [sflag:$0xE], $0x3C00, $0x38;
	[tilespmem:$0x1EC80] =	vst v63  }
0x1d2: {  	_ =	swait.ge [sflag:s4], $0x3C00  }
0x1d3: {  	s6 =	sld [smem:$0x7E4]  }
0x1d4: {  	[sflag:s4] =	ssyncset.done $0x0  }
0x1d5: {  	[sflag:s4] =	ssyncadd.s32 $0xFFFFC400  }
0x1d6: {  	[tilespmem:s13], [sflag:$0x2] =	stream.linear.gather [hbm4b:s6+s2], $0x3C00, $0x38;
	[tilespmem:$0x1EC80] =	vst v63  }
0x1d7: {  	_ =	swait.ge [sflag:s25], $0x3C00  }
0x1d8: {  	s6 =	sld [smem:$0x7E5]  }
0x1d9: {  	[sflag:s25] =	ssyncset.done $0x0  }
0x1da: {  	[sflag:s25] =	ssyncadd.s32 $0xFFFFC400  }
0x1db: {  	[hbm4b:s6+s2] =	stream.linear.scatter [tilespmem:s22], [sflag:$0xF], $0x3C00, $0x38;
	[tilespmem:$0x1EC80] =	vst v63  }
0x1dc: {  	_ =	swait.ge [sflag:s3], $0x3C00  }
0x1dd: {  	s6 =	sld [smem:$0x7E6]  }
0x1de: {  	[sflag:s3] =	ssyncset.done $0x0  }
0x1df: {  	[sflag:s3] =	ssyncadd.s32 $0xFFFFC400  }
0x1e0: {  	[tilespmem:s12], [sflag:$0x3] =	stream.linear.gather [hbm4b:s6+s2], $0x3C00, $0x38;
	[tilespmem:$0x1EC80] =	vst v63  }
0x1e1: {  	_ =	swait.ge [sflag:s23], $0x3C00  }
0x1e2: {  	s6 =	sld [smem:$0x7E7]  }
0x1e3: {  	[sflag:s23] =	ssyncset.done $0x0  }
0x1e4: {  	[sflag:s23] =	ssyncadd.s32 $0xFFFFC400  }
0x1e5: {  	[hbm4b:s6+s2] =	stream.linear.scatter [tilespmem:s21], [sflag:$0x10], $0x3C00, $0x38;
	[tilespmem:$0x1EC80] =	vst v63  }
0x1e6: {  	_ =	swait.ge [sflag:s11], $0x3C00  }
0x1e7: {  	s6 =	sld [smem:$0x7E8]  }
0x1e8: {  	[sflag:s11] =	ssyncset.done $0x0  }
0x1e9: {  	[sflag:s11] =	ssyncadd.s32 $0xFFFFC400  }
0x1ea: {  	[tilespmem:s29], [sflag:$0x4] =	stream.linear.gather [hbm4b:s6+s2], $0x3C00, $0x38;
	[tilespmem:$0x1EC80] =	vst v63  }
0x1eb: {  	_ =	swait.ge [sflag:s18], $0x3C00  }
0x1ec: {  	s6 =	sld [smem:$0x7E9]  }
0x1ed: {  	[sflag:s18] =	ssyncset.done $0x0  }
0x1ee: {  	[sflag:s18] =	ssyncadd.s32 $0xFFFFC400  }
0x1ef: {  	[hbm4b:s6+s2] =	stream.linear.scatter [tilespmem:s2], [sflag:$0x9], $0x3C00, $0x38;
	[tilespmem:$0x1EC80] =	vst v63  }
0x1f0: {  	_ =	swait.ge [sflag:s10], $0x3C00  }
0x1f1: {  	s6 =	sld [smem:$0x7EA]  }
0x1f2: {  	[sflag:s10] =	ssyncset.done $0x0  }
0x1f3: {  	[sflag:s10] =	ssyncadd.s32 $0xFFFFC400  }
0x1f4: {  	[tilespmem:s26], [sflag:$0x5] =	stream.linear.gather [hbm4b:s6+s2], $0x3C00, $0x38;
	[tilespmem:$0x1EC80] =	vst v63  }
0x1f5: {  	_ =	swait.ge [sflag:s16], $0x3C00  }
0x1f6: {  	s6 =	sld [smem:$0x7EB]  }
0x1f7: {  	[sflag:s16] =	ssyncset.done $0x0  }
0x1f8: {  	[sflag:s16] =	ssyncadd.s32 $0xFFFFC400  }
0x1f9: {  	[hbm4b:s6+s2] =	stream.linear.scatter [tilespmem:s13], [sflag:$0xA], $0x3C00, $0x38;
	[tilespmem:$0x1EC80] =	vst v63  }
0x1fa: {  	_ =	swait.ge [sflag:s8], $0x3C00  }
0x1fb: {  	s6 =	sld [smem:$0x7EC]  }
0x1fc: {  	[sflag:s8] =	ssyncset.done $0x0  }
0x1fd: {  	[sflag:s8] =	ssyncadd.s32 $0xFFFFC400  }
0x1fe: {  	[tilespmem:s24], [sflag:$0x6] =	stream.linear.gather [hbm4b:s6+s2], $0x3C00, $0x38;
	[tilespmem:$0x1EC80] =	vst v63  }
0x1ff: {  	_ =	swait.ge [sflag:s14], $0x3C00  }
0x200: {  	s6 =	sld [smem:$0x7ED]  }
0x201: {  	[sflag:s14] =	ssyncset.done $0x0  }
0x202: {  	[sflag:s14] =	ssyncadd.s32 $0xFFFFC400  }
0x203: {  	[hbm4b:s6+s2] =	stream.linear.scatter [tilespmem:s12], [sflag:$0xB], $0x3C00, $0x38;
	[tilespmem:$0x1EC80] =	vst v63  }
0x204: {  	_ =	swait.ge [sflag:s9], $0x3C00  }
0x205: {  	s6 =	sld [smem:$0x7EE]  }
0x206: {  	[sflag:s9] =	ssyncset.done $0x0  }
0x207: {  	[sflag:s9] =	ssyncadd.s32 $0xFFFFC400  }
0x208: {  	[tilespmem:s22], [sflag:$0x7] =	stream.linear.gather [hbm4b:s6+s2], $0x3C00, $0x38;
	[tilespmem:$0x1EC80] =	vst v63  }
0x209: {  	_ =	swait.ge [sflag:s31], $0x3C00  }
0x20a: {  	s6 =	sld [smem:$0x7EF]  }
0x20b: {  	[sflag:s31] =	ssyncset.done $0x0  }
0x20c: {  	[sflag:s31] =	ssyncadd.s32 $0xFFFFC400  }
0x20d: {  	[hbm4b:s6+s2] =	stream.linear.scatter [tilespmem:s29], [sflag:$0xC], $0x3C00, $0x38;
	[tilespmem:$0x1EC80] =	vst v63  }
0x20e: {  	_ =	swait.ge [sflag:s7], $0x3C00  }
0x20f: {  	s6 =	sld [smem:$0x7F0]  }
0x210: {  	[sflag:s7] =	ssyncset.done $0x0  }
0x211: {  	[sflag:s7] =	ssyncadd.s32 $0xFFFFC400  }
0x212: {  	[tilespmem:s21], [sflag:$0x8] =	stream.linear.gather [hbm4b:s6+s2], $0x3C00, $0x38;
	[tilespmem:$0x1EC80] =	vst v63  }
0x213: {  	_ =	swait.ge [sflag:s30], $0x3C00  }
0x214: {  	s6 =	sld [smem:$0x7F1]  }
0x215: {  	[sflag:s30] =	ssyncset.done $0x0  }
0x216: {  	[sflag:s30] =	ssyncadd.s32 $0xFFFFC400  }
0x217: {  	[hbm4b:s6+s2] =	stream.linear.scatter [tilespmem:s26], [sflag:$0xD], $0x3C00, $0x38;
	[tilespmem:$0x1EC80] =	vst v63  }
0x218: {  	_ =	swait.ge [sflag:s5], $0x3C00  }
0x219: {  	s6 =	sld [smem:$0x7F2]  }
0x21a: {  	[sflag:s5] =	ssyncset.done $0x0  }
0x21b: {  	[sflag:s5] =	ssyncadd.s32 $0xFFFFC400  }
0x21c: {  	[tilespmem:s2], [sflag:$0x1] =	stream.linear.gather [hbm4b:s6+s2], $0x3C00, $0x38;
	[tilespmem:$0x1EC80] =	vst v63  }
0x21d: {  	_ =	swait.ge [sflag:s28], $0x3C00  }
0x21e: {  	s6 =	sld [smem:$0x7F3]  }
0x21f: {  	[sflag:s28] =	ssyncset.done $0x0  }
0x220: {  	[sflag:s28] =	ssyncadd.s32 $0xFFFFC400  }
0x221: {  	[hbm4b:s6+s2] =	stream.linear.scatter [tilespmem:s24], [sflag:$0xE], $0x3C00, $0x38;
	[tilespmem:$0x1EC80] =	vst v63  }
0x222: {  	_ =	swait.ge [sflag:s4], $0x3C00  }
0x223: {  	s6 =	sld [smem:$0x7F4]  }
0x224: {  	[sflag:s4] =	ssyncset.done $0x0  }
0x225: {  	[sflag:s4] =	ssyncadd.s32 $0xFFFFC400  }
0x226: {  	[tilespmem:s13], [sflag:$0x2] =	stream.linear.gather [hbm4b:s6+s2], $0x3C00, $0x38;
	[tilespmem:$0x1EC80] =	vst v63  }
0x227: {  	_ =	swait.ge [sflag:s25], $0x3C00  }
0x228: {  	s6 =	sld [smem:$0x7F5]  }
0x229: {  	[sflag:s25] =	ssyncset.done $0x0  }
0x22a: {  	[sflag:s25] =	ssyncadd.s32 $0xFFFFC400  }
0x22b: {  	[hbm4b:s6+s2] =	stream.linear.scatter [tilespmem:s22], [sflag:$0xF], $0x3C00, $0x38;
	[tilespmem:$0x1EC80] =	vst v63  }
0x22c: {  	_ =	swait.ge [sflag:s3], $0x3C00  }
0x22d: {  	s6 =	sld [smem:$0x7F6]  }
0x22e: {  	[sflag:s3] =	ssyncset.done $0x0  }
0x22f: {  	[sflag:s3] =	ssyncadd.s32 $0xFFFFC400  }
0x230: {  	[tilespmem:s12], [sflag:$0x3] =	stream.linear.gather [hbm4b:s6+s2], $0x3C00, $0x38;
	[tilespmem:$0x1EC80] =	vst v63  }
0x231: {  	_ =	swait.ge [sflag:s23], $0x3C00  }
0x232: {  	s6 =	sld [smem:$0x7F7]  }
0x233: {  	[sflag:s23] =	ssyncset.done $0x0  }
0x234: {  	[sflag:s23] =	ssyncadd.s32 $0xFFFFC400  }
0x235: {  	[hbm4b:s6+s2] =	stream.linear.scatter [tilespmem:s21], [sflag:$0x10], $0x3C00, $0x38;
	[tilespmem:$0x1EC80] =	vst v63  }
0x236: {  	_ =	swait.ge [sflag:s18], $0x3C00  }
0x237: {  	s6 =	sld [smem:$0x7F8]  }
0x238: {  	[sflag:s18] =	ssyncset.done $0x0  }
0x239: {  	[sflag:s18] =	ssyncadd.s32 $0xFFFFC400  }
0x23a: {  	[hbm4b:s6+s2] =	stream.linear.scatter [tilespmem:s2], [sflag:$0x9], $0x3C00, $0x38;
	[tilespmem:$0x1EC80] =	vst v63  }
0x23b: {  	_ =	swait.ge [sflag:s16], $0x3C00  }
0x23c: {  	s6 =	sld [smem:$0x7F9]  }
0x23d: {  	[sflag:s16] =	ssyncset.done $0x0  }
0x23e: {  	[sflag:s16] =	ssyncadd.s32 $0xFFFFC400  }
0x23f: {  	[hbm4b:s6+s2] =	stream.linear.scatter [tilespmem:s13], [sflag:$0xA], $0x3C00, $0x38;
	[tilespmem:$0x1EC80] =	vst v63  }
0x240: {  	_ =	swait.ge [sflag:s14], $0x3C00  }
0x241: {  	s0 =	sld [smem:$0x7FA]  }
0x242: {  	[sflag:s14] =	ssyncset.done $0x0  }
0x243: {  	s6 =	sld [smem:$0x7FB];
	[sflag:s14] =	ssyncadd.s32 $0xFFFFC400  }
0x244: {  	[hbm4b:s0+s2] =	stream.linear.scatter [tilespmem:s12], [sflag:$0xB], $0x3C00, $0x38;
	[tilespmem:$0x1EC80] =	vst v63  }
0x245: {  	s0 =	sld [smem:$0x7FC]  }
0x246: {  	[tilespmem:s20], [sflag:$0x11] =	stream.linear.gather [hbm4b:s6+s2], $0x200, $0x38;
	[tilespmem:$0x1EC80] =	vst v63  }
0x247: {  	s6 =	smov.u32 s19;
	s19 =	simm.s32 $0x1E200  }
0x248: {  	[tilespmem:s19], [sflag:$0x12] =	stream.linear.gather [hbm4b:s0+s2], $0xA38, $0x38;
	[tilespmem:$0x1EC80] =	vst v63  }
0x249: {  	_ =	swait.ge [sflag:s17], $0x200  }
0x24a: {  	s0 =	sld [smem:$0x7FD]  }
0x24b: {  	[sflag:s17] =	ssyncset.done $0x0  }
0x24c: {  	[sflag:s17] =	ssyncadd.s32 $0xFFFFFE00  }
0x24d: {  	[hbm4b:s0+s2] =	stream.linear.scatter [tilespmem:s20], [sflag:$0x11], $0x200, $0x38;
	[tilespmem:$0x1EC80] =	vst v63  }
0x24e: {  	_ =	swait.ge [sflag:s15], $0xA38  }
0x24f: {  	[sflag:s15] =	ssyncset.done $0x0  }
0x250: {  	[sflag:s15] =	ssyncadd.s32 $0xFFFFF5C8  }
0x251: {  	[hbm4b:s6+s2] =	stream.linear.scatter [tilespmem:s19], [sflag:$0x12], $0xA38, $0x38;
	[tilespmem:$0x1EC80] =	vst v63  }
0x252: {  	_ =	swait.ge [sflag:s17], $0x200  }
0x253: {  	[sflag:s17] =	ssyncset.done $0x0  }
0x254: {  	[sflag:s17] =	ssyncadd.s32 $0xFFFFFE00  }
0x255: {  	_ =	swait.ge [sflag:s15], $0xA38  }
0x256: {  	[sflag:s15] =	ssyncset.done $0x0  }
0x257: {  	[sflag:s15] =	ssyncadd.s32 $0xFFFFF5C8  }
0x258: {  	_ =	swait.ge [sflag:s11], $0x3C00  }
0x259: {  	[sflag:s11] =	ssyncset.done $0x0  }
0x25a: {  	[sflag:s11] =	ssyncadd.s32 $0xFFFFC400  }
0x25b: {  	_ =	swait.ge [sflag:s10], $0x3C00  }
0x25c: {  	[sflag:s10] =	ssyncset.done $0x0  }
0x25d: {  	[sflag:s10] =	ssyncadd.s32 $0xFFFFC400  }
0x25e: {  	_ =	swait.ge [sflag:s8], $0x3C00  }
0x25f: {  	[sflag:s8] =	ssyncset.done $0x0  }
0x260: {  	[sflag:s8] =	ssyncadd.s32 $0xFFFFC400  }
0x261: {  	_ =	swait.ge [sflag:s9], $0x3C00  }
0x262: {  	[sflag:s9] =	ssyncset.done $0x0  }
0x263: {  	[sflag:s9] =	ssyncadd.s32 $0xFFFFC400  }
0x264: {  	_ =	swait.ge [sflag:s7], $0x3C00  }
0x265: {  	[sflag:s7] =	ssyncset.done $0x0  }
0x266: {  	[sflag:s7] =	ssyncadd.s32 $0xFFFFC400  }
0x267: {  	_ =	swait.ge [sflag:s5], $0x3C00  }
0x268: {  	[sflag:s5] =	ssyncset.done $0x0  }
0x269: {  	p1 =	sne.s32 s1, $0x1;
	[sflag:s5] =	ssyncadd.s32 $0xFFFFC400  }
.Ltmp2:
0x26a: {  	_ =	swait.ge [sflag:s4], $0x3C00;
	(pc) =	sbr.rel @p1 .LBB2_2-.Ltmp2, $4  }
0x26b: {  	[sflag:s4] =	ssyncset.done $0x0  }
0x26c: {  	[sflag:s4] =	ssyncadd.s32 $0xFFFFC400  }
0x26d: {  	_ =	swait.ge [sflag:s3], $0x3C00  }
0x26e: {  	s1 =	sadd.s32 $0xFFFFFFFF, s1;
	s0 =	rddreg [dreg:$0x7];
	[sflag:s3] =	ssyncset.done $0x0  }
.LBB2_3:
0x26f: {  	[sflag:s3] =	ssyncadd.s32 @p0 $0xFFFFC400  }
0x270: {  	[tilespmem:s2], [sflag:$0x1] =	stream.linear.gather [hbm4b:s0+s2], $0x3C00, $0x38;
	[tilespmem:$0x1EC80] =	vst v63  }
0x271: {  	s1 =	rddreg [dreg:$0x8]  }
0x272: {  	[tilespmem:s13], [sflag:$0x2] =	stream.linear.gather [hbm4b:s1+s2], $0x3C00, $0x38;
	[tilespmem:$0x1EC80] =	vst v63  }
0x273: {  	s0 =	rddreg [dreg:$0x9]  }
0x274: {  	[tilespmem:s12], [sflag:$0x3] =	stream.linear.gather [hbm4b:s0+s2], $0x3C00, $0x38;
	[tilespmem:$0x1EC80] =	vst v63  }
0x275: {  	s1 =	rddreg [dreg:$0xa]  }
0x276: {  	[tilespmem:s29], [sflag:$0x4] =	stream.linear.gather [hbm4b:s1+s2], $0x3C00, $0x38;
	[tilespmem:$0x1EC80] =	vst v63  }
0x277: {  	_ =	swait.ge [sflag:s18], $0x3C00  }
0x278: {  	[sflag:s18] =	ssyncset.done $0x0  }
0x279: {  	s0 =	rddreg [dreg:$0xb];
	[sflag:s18] =	ssyncadd.s32 $0xFFFFC400  }
0x27a: {  	[hbm4b:s0+s2] =	stream.linear.scatter [tilespmem:s2], [sflag:$0x9], $0x3C00, $0x38;
	[tilespmem:$0x1EC80] =	vst v63  }
0x27b: {  	s1 =	rddreg [dreg:$0xc]  }
0x27c: {  	[tilespmem:s26], [sflag:$0x5] =	stream.linear.gather [hbm4b:s1+s2], $0x3C00, $0x38;
	[tilespmem:$0x1EC80] =	vst v63  }
0x27d: {  	_ =	swait.ge [sflag:s16], $0x3C00  }
0x27e: {  	[sflag:s16] =	ssyncset.done $0x0  }
0x27f: {  	s0 =	rddreg [dreg:$0xd];
	[sflag:s16] =	ssyncadd.s32 $0xFFFFC400  }
0x280: {  	[hbm4b:s0+s2] =	stream.linear.scatter [tilespmem:s13], [sflag:$0xA], $0x3C00, $0x38;
	[tilespmem:$0x1EC80] =	vst v63  }
0x281: {  	s1 =	rddreg [dreg:$0xe]  }
0x282: {  	[tilespmem:s24], [sflag:$0x6] =	stream.linear.gather [hbm4b:s1+s2], $0x3C00, $0x38;
	[tilespmem:$0x1EC80] =	vst v63  }
0x283: {  	_ =	swait.ge [sflag:s14], $0x3C00  }
0x284: {  	[sflag:s14] =	ssyncset.done $0x0  }
0x285: {  	s0 =	rddreg [dreg:$0xf];
	[sflag:s14] =	ssyncadd.s32 $0xFFFFC400  }
0x286: {  	[hbm4b:s0+s2] =	stream.linear.scatter [tilespmem:s12], [sflag:$0xB], $0x3C00, $0x38;
	[tilespmem:$0x1EC80] =	vst v63  }
0x287: {  	s1 =	rddreg [dreg:$0x10]  }
0x288: {  	[tilespmem:s22], [sflag:$0x7] =	stream.linear.gather [hbm4b:s1+s2], $0x3C00, $0x38;
	[tilespmem:$0x1EC80] =	vst v63  }
0x289: {  	_ =	swait.ge [sflag:s31], $0x3C00  }
0x28a: {  	[sflag:s31] =	ssyncset.done $0x0  }
0x28b: {  	s0 =	rddreg [dreg:$0x11];
	[sflag:s31] =	ssyncadd.s32 $0xFFFFC400  }
0x28c: {  	[hbm4b:s0+s2] =	stream.linear.scatter [tilespmem:s29], [sflag:$0xC], $0x3C00, $0x38;
	[tilespmem:$0x1EC80] =	vst v63  }
0x28d: {  	s1 =	rddreg [dreg:$0x12]  }
0x28e: {  	[tilespmem:s21], [sflag:$0x8] =	stream.linear.gather [hbm4b:s1+s2], $0x3C00, $0x38;
	[tilespmem:$0x1EC80] =	vst v63  }
0x28f: {  	_ =	swait.ge [sflag:s30], $0x3C00  }
0x290: {  	[sflag:s30] =	ssyncset.done $0x0  }
0x291: {  	s1 =	rddreg [dreg:$0x13];
	[sflag:s30] =	ssyncadd.s32 $0xFFFFC400  }
0x292: {  	[hbm4b:s1+s2] =	stream.linear.scatter [tilespmem:s26], [sflag:$0xD], $0x3C00, $0x38;
	[tilespmem:$0x1EC80] =	vst v63  }
0x293: {  	_ =	swait.ge [sflag:s5], $0x3C00  }
0x294: {  	[sflag:s5] =	ssyncset.done $0x0  }
0x295: {  	s1 =	rddreg [dreg:$0x14];
	[sflag:s5] =	ssyncadd.s32 $0xFFFFC400  }
0x296: {  	[tilespmem:s2], [sflag:$0x1] =	stream.linear.gather [hbm4b:s1+s2], $0x3C00, $0x38;
	[tilespmem:$0x1EC80] =	vst v63  }
0x297: {  	_ =	swait.ge [sflag:s28], $0x3C00  }
0x298: {  	[sflag:s28] =	ssyncset.done $0x0  }
0x299: {  	s1 =	rddreg [dreg:$0x15];
	[sflag:s28] =	ssyncadd.s32 $0xFFFFC400  }
0x29a: {  	[hbm4b:s1+s2] =	stream.linear.scatter [tilespmem:s24], [sflag:$0xE], $0x3C00, $0x38;
	[tilespmem:$0x1EC80] =	vst v63  }
0x29b: {  	_ =	swait.ge [sflag:s4], $0x3C00  }
0x29c: {  	[sflag:s4] =	ssyncset.done $0x0  }
0x29d: {  	s1 =	rddreg [dreg:$0x16];
	[sflag:s4] =	ssyncadd.s32 $0xFFFFC400  }
0x29e: {  	[tilespmem:s13], [sflag:$0x2] =	stream.linear.gather [hbm4b:s1+s2], $0x3C00, $0x38;
	[tilespmem:$0x1EC80] =	vst v63  }
0x29f: {  	_ =	swait.ge [sflag:s25], $0x3C00  }
0x2a0: {  	[sflag:s25] =	ssyncset.done $0x0  }
0x2a1: {  	s1 =	rddreg [dreg:$0x17];
	[sflag:s25] =	ssyncadd.s32 $0xFFFFC400  }
0x2a2: {  	[hbm4b:s1+s2] =	stream.linear.scatter [tilespmem:s22], [sflag:$0xF], $0x3C00, $0x38;
	[tilespmem:$0x1EC80] =	vst v63  }
0x2a3: {  	_ =	swait.ge [sflag:s3], $0x3C00  }
0x2a4: {  	[sflag:s3] =	ssyncset.done $0x0  }
0x2a5: {  	s1 =	rddreg [dreg:$0x18];
	[sflag:s3] =	ssyncadd.s32 $0xFFFFC400  }
0x2a6: {  	[tilespmem:s12], [sflag:$0x3] =	stream.linear.gather [hbm4b:s1+s2], $0x3C00, $0x38;
	[tilespmem:$0x1EC80] =	vst v63  }
0x2a7: {  	_ =	swait.ge [sflag:s23], $0x3C00  }
0x2a8: {  	[sflag:s23] =	ssyncset.done $0x0  }
0x2a9: {  	s1 =	rddreg [dreg:$0x19];
	[sflag:s23] =	ssyncadd.s32 $0xFFFFC400  }
0x2aa: {  	[hbm4b:s1+s2] =	stream.linear.scatter [tilespmem:s21], [sflag:$0x10], $0x3C00, $0x38;
	[tilespmem:$0x1EC80] =	vst v63  }
0x2ab: {  	_ =	swait.ge [sflag:s11], $0x3C00  }
0x2ac: {  	[sflag:s11] =	ssyncset.done $0x0  }
0x2ad: {  	s1 =	rddreg [dreg:$0x1a];
	[sflag:s11] =	ssyncadd.s32 $0xFFFFC400  }
0x2ae: {  	[tilespmem:s29], [sflag:$0x4] =	stream.linear.gather [hbm4b:s1+s2], $0x3C00, $0x38;
	[tilespmem:$0x1EC80] =	vst v63  }
0x2af: {  	_ =	swait.ge [sflag:s18], $0x3C00  }
0x2b0: {  	[sflag:s18] =	ssyncset.done $0x0  }
0x2b1: {  	s1 =	rddreg [dreg:$0x1b];
	[sflag:s18] =	ssyncadd.s32 $0xFFFFC400  }
0x2b2: {  	[hbm4b:s1+s2] =	stream.linear.scatter [tilespmem:s2], [sflag:$0x9], $0x3C00, $0x38;
	[tilespmem:$0x1EC80] =	vst v63  }
0x2b3: {  	_ =	swait.ge [sflag:s10], $0x3C00  }
0x2b4: {  	[sflag:s10] =	ssyncset.done $0x0  }
0x2b5: {  	s1 =	rddreg [dreg:$0x1c];
	[sflag:s10] =	ssyncadd.s32 $0xFFFFC400  }
0x2b6: {  	[tilespmem:s26], [sflag:$0x5] =	stream.linear.gather [hbm4b:s1+s2], $0x3C00, $0x38;
	[tilespmem:$0x1EC80] =	vst v63  }
0x2b7: {  	_ =	swait.ge [sflag:s16], $0x3C00  }
0x2b8: {  	[sflag:s16] =	ssyncset.done $0x0  }
0x2b9: {  	s1 =	rddreg [dreg:$0x1d];
	[sflag:s16] =	ssyncadd.s32 $0xFFFFC400  }
0x2ba: {  	[hbm4b:s1+s2] =	stream.linear.scatter [tilespmem:s13], [sflag:$0xA], $0x3C00, $0x38;
	[tilespmem:$0x1EC80] =	vst v63  }
0x2bb: {  	_ =	swait.ge [sflag:s8], $0x3C00  }
0x2bc: {  	[sflag:s8] =	ssyncset.done $0x0  }
0x2bd: {  	s1 =	rddreg [dreg:$0x1e];
	[sflag:s8] =	ssyncadd.s32 $0xFFFFC400  }
0x2be: {  	[tilespmem:s24], [sflag:$0x6] =	stream.linear.gather [hbm4b:s1+s2], $0x3C00, $0x38;
	[tilespmem:$0x1EC80] =	vst v63  }
0x2bf: {  	_ =	swait.ge [sflag:s14], $0x3C00  }
0x2c0: {  	[sflag:s14] =	ssyncset.done $0x0  }
0x2c1: {  	s1 =	rddreg [dreg:$0x1f];
	[sflag:s14] =	ssyncadd.s32 $0xFFFFC400  }
0x2c2: {  	[hbm4b:s1+s2] =	stream.linear.scatter [tilespmem:s12], [sflag:$0xB], $0x3C00, $0x38;
	[tilespmem:$0x1EC80] =	vst v63  }
0x2c3: {  	_ =	swait.ge [sflag:s9], $0x3C00  }
0x2c4: {  	s1 =	sld [smem:$0x7DE]  }
0x2c5: {  	[sflag:s9] =	ssyncset.done $0x0  }
0x2c6: {  	[sflag:s9] =	ssyncadd.s32 $0xFFFFC400  }
0x2c7: {  	[tilespmem:s22], [sflag:$0x7] =	stream.linear.gather [hbm4b:s1+s2], $0x3C00, $0x38;
	[tilespmem:$0x1EC80] =	vst v63  }
0x2c8: {  	_ =	swait.ge [sflag:s31], $0x3C00  }
0x2c9: {  	s1 =	sld [smem:$0x7DF]  }
0x2ca: {  	[sflag:s31] =	ssyncset.done $0x0  }
0x2cb: {  	[sflag:s31] =	ssyncadd.s32 $0xFFFFC400  }
0x2cc: {  	[hbm4b:s1+s2] =	stream.linear.scatter [tilespmem:s29], [sflag:$0xC], $0x3C00, $0x38;
	[tilespmem:$0x1EC80] =	vst v63  }
0x2cd: {  	_ =	swait.ge [sflag:s7], $0x3C00  }
0x2ce: {  	s1 =	sld [smem:$0x7E0]  }
0x2cf: {  	[sflag:s7] =	ssyncset.done $0x0  }
0x2d0: {  	[sflag:s7] =	ssyncadd.s32 $0xFFFFC400  }
0x2d1: {  	[tilespmem:s21], [sflag:$0x8] =	stream.linear.gather [hbm4b:s1+s2], $0x3C00, $0x38;
	[tilespmem:$0x1EC80] =	vst v63  }
0x2d2: {  	_ =	swait.ge [sflag:s30], $0x3C00  }
0x2d3: {  	s1 =	sld [smem:$0x7E1]  }
0x2d4: {  	[sflag:s30] =	ssyncset.done $0x0  }
0x2d5: {  	[sflag:s30] =	ssyncadd.s32 $0xFFFFC400  }
0x2d6: {  	[hbm4b:s1+s2] =	stream.linear.scatter [tilespmem:s26], [sflag:$0xD], $0x3C00, $0x38;
	[tilespmem:$0x1EC80] =	vst v63  }
0x2d7: {  	_ =	swait.ge [sflag:s5], $0x3C00  }
0x2d8: {  	s1 =	sld [smem:$0x7E2]  }
0x2d9: {  	[sflag:s5] =	ssyncset.done $0x0  }
0x2da: {  	[sflag:s5] =	ssyncadd.s32 $0xFFFFC400  }
0x2db: {  	[tilespmem:s2], [sflag:$0x1] =	stream.linear.gather [hbm4b:s1+s2], $0x3C00, $0x38;
	[tilespmem:$0x1EC80] =	vst v63  }
0x2dc: {  	_ =	swait.ge [sflag:s28], $0x3C00  }
0x2dd: {  	s1 =	sld [smem:$0x7E3]  }
0x2de: {  	[sflag:s28] =	ssyncset.done $0x0  }
0x2df: {  	[sflag:s28] =	ssyncadd.s32 $0xFFFFC400  }
0x2e0: {  	[hbm4b:s1+s2] =	stream.linear.scatter [tilespmem:s24], [sflag:$0xE], $0x3C00, $0x38;
	[tilespmem:$0x1EC80] =	vst v63  }
0x2e1: {  	_ =	swait.ge [sflag:s4], $0x3C00  }
0x2e2: {  	s1 =	sld [smem:$0x7E4]  }
0x2e3: {  	[sflag:s4] =	ssyncset.done $0x0  }
0x2e4: {  	[sflag:s4] =	ssyncadd.s32 $0xFFFFC400  }
0x2e5: {  	[tilespmem:s13], [sflag:$0x2] =	stream.linear.gather [hbm4b:s1+s2], $0x3C00, $0x38;
	[tilespmem:$0x1EC80] =	vst v63  }
0x2e6: {  	_ =	swait.ge [sflag:s25], $0x3C00  }
0x2e7: {  	s1 =	sld [smem:$0x7E5]  }
0x2e8: {  	[sflag:s25] =	ssyncset.done $0x0  }
0x2e9: {  	[sflag:s25] =	ssyncadd.s32 $0xFFFFC400  }
0x2ea: {  	[hbm4b:s1+s2] =	stream.linear.scatter [tilespmem:s22], [sflag:$0xF], $0x3C00, $0x38;
	[tilespmem:$0x1EC80] =	vst v63  }
0x2eb: {  	_ =	swait.ge [sflag:s3], $0x3C00  }
0x2ec: {  	s1 =	sld [smem:$0x7E6]  }
0x2ed: {  	[sflag:s3] =	ssyncset.done $0x0  }
0x2ee: {  	[sflag:s3] =	ssyncadd.s32 $0xFFFFC400  }
0x2ef: {  	[tilespmem:s12], [sflag:$0x3] =	stream.linear.gather [hbm4b:s1+s2], $0x3C00, $0x38;
	[tilespmem:$0x1EC80] =	vst v63  }
0x2f0: {  	_ =	swait.ge [sflag:s23], $0x3C00  }
0x2f1: {  	s1 =	sld [smem:$0x7E7]  }
0x2f2: {  	[sflag:s23] =	ssyncset.done $0x0  }
0x2f3: {  	[sflag:s23] =	ssyncadd.s32 $0xFFFFC400  }
0x2f4: {  	[hbm4b:s1+s2] =	stream.linear.scatter [tilespmem:s21], [sflag:$0x10], $0x3C00, $0x38;
	[tilespmem:$0x1EC80] =	vst v63  }
0x2f5: {  	_ =	swait.ge [sflag:s11], $0x3C00  }
0x2f6: {  	s1 =	sld [smem:$0x7E8]  }
0x2f7: {  	[sflag:s11] =	ssyncset.done $0x0  }
0x2f8: {  	[sflag:s11] =	ssyncadd.s32 $0xFFFFC400  }
0x2f9: {  	[tilespmem:s29], [sflag:$0x4] =	stream.linear.gather [hbm4b:s1+s2], $0x3C00, $0x38;
	[tilespmem:$0x1EC80] =	vst v63  }
0x2fa: {  	_ =	swait.ge [sflag:s18], $0x3C00  }
0x2fb: {  	s1 =	sld [smem:$0x7E9]  }
0x2fc: {  	[sflag:s18] =	ssyncset.done $0x0  }
0x2fd: {  	[sflag:s18] =	ssyncadd.s32 $0xFFFFC400  }
0x2fe: {  	[hbm4b:s1+s2] =	stream.linear.scatter [tilespmem:s2], [sflag:$0x9], $0x3C00, $0x38;
	[tilespmem:$0x1EC80] =	vst v63  }
0x2ff: {  	_ =	swait.ge [sflag:s10], $0x3C00  }
0x300: {  	s1 =	sld [smem:$0x7EA]  }
0x301: {  	[sflag:s10] =	ssyncset.done $0x0  }
0x302: {  	[sflag:s10] =	ssyncadd.s32 $0xFFFFC400  }
0x303: {  	[tilespmem:s26], [sflag:$0x5] =	stream.linear.gather [hbm4b:s1+s2], $0x3C00, $0x38;
	[tilespmem:$0x1EC80] =	vst v63  }
0x304: {  	_ =	swait.ge [sflag:s16], $0x3C00  }
0x305: {  	s1 =	sld [smem:$0x7EB]  }
0x306: {  	[sflag:s16] =	ssyncset.done $0x0  }
0x307: {  	[sflag:s16] =	ssyncadd.s32 $0xFFFFC400  }
0x308: {  	[hbm4b:s1+s2] =	stream.linear.scatter [tilespmem:s13], [sflag:$0xA], $0x3C00, $0x38;
	[tilespmem:$0x1EC80] =	vst v63  }
0x309: {  	_ =	swait.ge [sflag:s8], $0x3C00  }
0x30a: {  	s1 =	sld [smem:$0x7EC]  }
0x30b: {  	[sflag:s8] =	ssyncset.done $0x0  }
0x30c: {  	[sflag:s8] =	ssyncadd.s32 $0xFFFFC400  }
0x30d: {  	[tilespmem:s24], [sflag:$0x6] =	stream.linear.gather [hbm4b:s1+s2], $0x3C00, $0x38;
	[tilespmem:$0x1EC80] =	vst v63  }
0x30e: {  	_ =	swait.ge [sflag:s14], $0x3C00  }
0x30f: {  	s1 =	sld [smem:$0x7ED]  }
0x310: {  	[sflag:s14] =	ssyncset.done $0x0  }
0x311: {  	[sflag:s14] =	ssyncadd.s32 $0xFFFFC400  }
0x312: {  	[hbm4b:s1+s2] =	stream.linear.scatter [tilespmem:s12], [sflag:$0xB], $0x3C00, $0x38;
	[tilespmem:$0x1EC80] =	vst v63  }
0x313: {  	_ =	swait.ge [sflag:s9], $0x3C00  }
0x314: {  	s1 =	sld [smem:$0x7EE]  }
0x315: {  	[sflag:s9] =	ssyncset.done $0x0  }
0x316: {  	[sflag:s9] =	ssyncadd.s32 $0xFFFFC400  }
0x317: {  	[tilespmem:s22], [sflag:$0x7] =	stream.linear.gather [hbm4b:s1+s2], $0x3C00, $0x38;
	[tilespmem:$0x1EC80] =	vst v63  }
0x318: {  	_ =	swait.ge [sflag:s31], $0x3C00  }
0x319: {  	s1 =	sld [smem:$0x7EF]  }
0x31a: {  	[sflag:s31] =	ssyncset.done $0x0  }
0x31b: {  	[sflag:s31] =	ssyncadd.s32 $0xFFFFC400  }
0x31c: {  	[hbm4b:s1+s2] =	stream.linear.scatter [tilespmem:s29], [sflag:$0xC], $0x3C00, $0x38;
	[tilespmem:$0x1EC80] =	vst v63  }
0x31d: {  	_ =	swait.ge [sflag:s7], $0x3C00  }
0x31e: {  	s31 =	sld [smem:$0x7F0]  }
0x31f: {  	[sflag:s7] =	ssyncset.done $0x0  }
0x320: {  	[sflag:s7] =	ssyncadd.s32 $0xFFFFC400  }
0x321: {  	[tilespmem:s21], [sflag:$0x8] =	stream.linear.gather [hbm4b:s31+s2], $0x3C00, $0x38;
	[tilespmem:$0x1EC80] =	vst v63  }
0x322: {  	_ =	swait.ge [sflag:s30], $0x3C00  }
0x323: {  	s1 =	sld [smem:$0x7F1]  }
0x324: {  	[sflag:s30] =	ssyncset.done $0x0  }
0x325: {  	[sflag:s30] =	ssyncadd.s32 $0xFFFFC400  }
0x326: {  	[hbm4b:s1+s2] =	stream.linear.scatter [tilespmem:s26], [sflag:$0xD], $0x3C00, $0x38;
	[tilespmem:$0x1EC80] =	vst v63  }
0x327: {  	_ =	swait.ge [sflag:s5], $0x3C00  }
0x328: {  	s26 =	sld [smem:$0x7F2]  }
0x329: {  	[sflag:s5] =	ssyncset.done $0x0  }
0x32a: {  	[sflag:s5] =	ssyncadd.s32 $0xFFFFC400  }
0x32b: {  	[tilespmem:s2], [sflag:$0x1] =	stream.linear.gather [hbm4b:s26+s2], $0x3C00, $0x38;
	[tilespmem:$0x1EC80] =	vst v63  }
0x32c: {  	_ =	swait.ge [sflag:s28], $0x3C00  }
0x32d: {  	s29 =	sld [smem:$0x7F3]  }
0x32e: {  	[sflag:s28] =	ssyncset.done $0x0  }
0x32f: {  	[sflag:s28] =	ssyncadd.s32 $0xFFFFC400  }
0x330: {  	[hbm4b:s29+s2] =	stream.linear.scatter [tilespmem:s24], [sflag:$0xE], $0x3C00, $0x38;
	[tilespmem:$0x1EC80] =	vst v63  }
0x331: {  	_ =	swait.ge [sflag:s4], $0x3C00  }
0x332: {  	s30 =	sld [smem:$0x7F4]  }
0x333: {  	[sflag:s4] =	ssyncset.done $0x0  }
0x334: {  	[sflag:s4] =	ssyncadd.s32 $0xFFFFC400  }
0x335: {  	[tilespmem:s13], [sflag:$0x2] =	stream.linear.gather [hbm4b:s30+s2], $0x3C00, $0x38;
	[tilespmem:$0x1EC80] =	vst v63  }
0x336: {  	_ =	swait.ge [sflag:s25], $0x3C00  }
0x337: {  	s31 =	sld [smem:$0x7F5]  }
0x338: {  	[sflag:s25] =	ssyncset.done $0x0  }
0x339: {  	[sflag:s25] =	ssyncadd.s32 $0xFFFFC400  }
0x33a: {  	[hbm4b:s31+s2] =	stream.linear.scatter [tilespmem:s22], [sflag:$0xF], $0x3C00, $0x38;
	[tilespmem:$0x1EC80] =	vst v63  }
0x33b: {  	_ =	swait.ge [sflag:s3], $0x3C00  }
0x33c: {  	s1 =	sld [smem:$0x7F6]  }
0x33d: {  	[sflag:s3] =	ssyncset.done $0x0  }
0x33e: {  	[sflag:s3] =	ssyncadd.s32 $0xFFFFC400  }
0x33f: {  	[tilespmem:s12], [sflag:$0x3] =	stream.linear.gather [hbm4b:s1+s2], $0x3C00, $0x38;
	[tilespmem:$0x1EC80] =	vst v63  }
0x340: {  	_ =	swait.ge [sflag:s23], $0x3C00  }
0x341: {  	s22 =	sld [smem:$0x7F7]  }
0x342: {  	[sflag:s23] =	ssyncset.done $0x0  }
0x343: {  	[sflag:s23] =	ssyncadd.s32 $0xFFFFC400  }
0x344: {  	[hbm4b:s22+s2] =	stream.linear.scatter [tilespmem:s21], [sflag:$0x10], $0x3C00, $0x38;
	[tilespmem:$0x1EC80] =	vst v63  }
0x345: {  	_ =	swait.ge [sflag:s18], $0x3C00  }
0x346: {  	s24 =	sld [smem:$0x7F8]  }
0x347: {  	[sflag:s18] =	ssyncset.done $0x0  }
0x348: {  	[sflag:s18] =	ssyncadd.s32 $0xFFFFC400  }
0x349: {  	[hbm4b:s24+s2] =	stream.linear.scatter [tilespmem:s2], [sflag:$0x9], $0x3C00, $0x38;
	[tilespmem:$0x1EC80] =	vst v63  }
0x34a: {  	_ =	swait.ge [sflag:s16], $0x3C00  }
0x34b: {  	s25 =	sld [smem:$0x7F9]  }
0x34c: {  	[sflag:s16] =	ssyncset.done $0x0  }
0x34d: {  	[sflag:s16] =	ssyncadd.s32 $0xFFFFC400  }
0x34e: {  	[hbm4b:s25+s2] =	stream.linear.scatter [tilespmem:s13], [sflag:$0xA], $0x3C00, $0x38;
	[tilespmem:$0x1EC80] =	vst v63  }
0x34f: {  	_ =	swait.ge [sflag:s14], $0x3C00  }
0x350: {  	s26 =	sld [smem:$0x7FA]  }
0x351: {  	[sflag:s14] =	ssyncset.done $0x0  }
0x352: {  	s28 =	sld [smem:$0x7FB];
	[sflag:s14] =	ssyncadd.s32 $0xFFFFC400  }
0x353: {  	[hbm4b:s26+s2] =	stream.linear.scatter [tilespmem:s12], [sflag:$0xB], $0x3C00, $0x38;
	[tilespmem:$0x1EC80] =	vst v63  }
0x354: {  	s29 =	sld [smem:$0x7FC]  }
0x355: {  	[tilespmem:s20], [sflag:$0x11] =	stream.linear.gather [hbm4b:s28+s2], $0x200, $0x38;
	[tilespmem:$0x1EC80] =	vst v63  }
0x356: {  	_ = 	snop  }
0x357: {  	[tilespmem:s19], [sflag:$0x12] =	stream.linear.gather [hbm4b:s29+s2], $0xA38, $0x38;
	[tilespmem:$0x1EC80] =	vst v63  }
0x358: {  	_ =	swait.ge [sflag:s17], $0x200  }
0x359: {  	s30 =	sld [smem:$0x7FD]  }
0x35a: {  	[sflag:s17] =	ssyncset.done $0x0  }
0x35b: {  	[sflag:s17] =	ssyncadd.s32 $0xFFFFFE00  }
0x35c: {  	[hbm4b:s30+s2] =	stream.linear.scatter [tilespmem:s20], [sflag:$0x11], $0x200, $0x38;
	[tilespmem:$0x1EC80] =	vst v63  }
0x35d: {  	_ =	swait.ge [sflag:s15], $0xA38  }
0x35e: {  	[sflag:s15] =	ssyncset.done $0x0  }
0x35f: {  	[sflag:s15] =	ssyncadd.s32 $0xFFFFF5C8  }
0x360: {  	[hbm4b:s6+s2] =	stream.linear.scatter [tilespmem:s19], [sflag:$0x12], $0xA38, $0x38;
	[tilespmem:$0x1EC80] =	vst v63  }
0x361: {  	_ =	swait.ge [sflag:s17], $0x200  }
0x362: {  	[sflag:s17] =	ssyncset.done $0x0  }
0x363: {  	[sflag:s17] =	ssyncadd.s32 $0xFFFFFE00  }
0x364: {  	_ =	swait.ge [sflag:s15], $0xA38  }
0x365: {  	[sflag:s15] =	ssyncset.done $0x0  }
0x366: {  	[sflag:s15] =	ssyncadd.s32 $0xFFFFF5C8  }
0x367: {  	_ =	swait.ge [sflag:s11], $0x3C00  }
0x368: {  	[sflag:s11] =	ssyncset.done $0x0  }
0x369: {  	[sflag:s11] =	ssyncadd.s32 $0xFFFFC400  }
0x36a: {  	_ =	swait.ge [sflag:s10], $0x3C00  }
0x36b: {  	[sflag:s10] =	ssyncset.done $0x0  }
0x36c: {  	[sflag:s10] =	ssyncadd.s32 $0xFFFFC400  }
0x36d: {  	_ =	swait.ge [sflag:s8], $0x3C00  }
0x36e: {  	[sflag:s8] =	ssyncset.done $0x0  }
0x36f: {  	[sflag:s8] =	ssyncadd.s32 $0xFFFFC400  }
0x370: {  	_ =	swait.ge [sflag:s9], $0x3C00  }
0x371: {  	[sflag:s9] =	ssyncset.done $0x0  }
0x372: {  	[sflag:s9] =	ssyncadd.s32 $0xFFFFC400  }
0x373: {  	_ =	swait.ge [sflag:s7], $0x3C00  }
0x374: {  	[sflag:s7] =	ssyncset.done $0x0  }
0x375: {  	[sflag:s7] =	ssyncadd.s32 $0xFFFFC400  }
0x376: {  	_ =	swait.ge [sflag:s5], $0x3C00  }
0x377: {  	[sflag:s5] =	ssyncset.done $0x0  }
0x378: {  	[sflag:s5] =	ssyncadd.s32 $0xFFFFC400  }
0x379: {  	_ =	swait.ge [sflag:s4], $0x3C00  }
0x37a: {  	[sflag:s4] =	ssyncset.done $0x0  }
0x37b: {  	[sflag:s4] =	ssyncadd.s32 $0xFFFFC400  }
0x37c: {  	_ =	swait.ge [sflag:s3], $0x3C00  }
0x37d: {  	[sflag:s3] =	ssyncset.done $0x0  }
0x37e: {  	[sflag:s3] =	ssyncadd.s32 $0xFFFFC400  }
0x37f: {  	_ =	sfence.sel $0x180000  }
0x380: {  	[bflag:$0x0] =	sbarrier.arrive $0xFFFF  }
0x381: {  	_ =	strace $0x90000047  }
0x382: {  	s31 =	stileid.u32;
	[bflag:$0x2] =	sbarrier.arrive $0xFFFF  }
0x383: {  	p0 =	sne.s32 s31, $0x0;
	s0 =	rddreg [dreg:$0x6]  }
0x384: {  	s0 =	sadd.s32 @!p0 $0x100000, s0  }
0x385: {  	[sflag:s0] =	ssyncadd.tile.s32 @!p0 $0x1;
	_ =	shalt  }
.Lfunc_end2:
_tile_overlayer_lowered:
.L_overlay_start_2:
0x386: {  	(tag) =	ssettag $0x2  }
0x387: {  	s0 =	rddreg [dreg:$0x0];
	s2 =	stileid.u32  }
0x388: {  	s1 =	rddreg [dreg:$0x1];
	p0 =	sne.s32 s2, $0x0  }
0x389: {  	s3 =	rddreg [dreg:$0x2];
	[bflag:$0x3] =	sbarrier.arrive $0xFFFF;
	s2 =	simm.s32 @!p0 $0x1C13  }
0x38a: {  	[timem:s3], [sflag:s2] =	dma.local @!p0 [hbm:s0], s1  }
0x38b: {  	s0 =	simm.s32 @!p0 $0x13  }
0x38c: {  	_ =	swait.ge @!p0 [sflag:s0], s1  }
0x38d: {  	s1 =	ssub.s32 @!p0 $0x0, s1;
	[sflag:s0] =	ssyncset.done @!p0 $0x0  }
0x38e: {  	[sflag:s0] =	ssyncadd.s32 @!p0 s1  }
0x38f: {  	[bflag:$0x3] =	sbarrier.arrive $0xFFFF  }
0x390: {  	_ =	shalt  }

</sc_bundles>
